<compile_context>
chip_gen: v7x
topology: tpu7x:2x2x1
jax: 0.10.2.dev20260603
libtpu: 0.0.44.dev20260713+nightly
codegen_flags: <defaults>
</compile_context>

<pallas_src>
import jax
import jax.numpy as jnp
from jax import lax
from jax.experimental import pallas as pl
from jax.experimental.pallas import tpu as pltpu
from jax.experimental.pallas import tpu_sc as plsc

N = 10000
NPAD = 10240
E = 320000
D = 128

NC = 2
NS = 16
NW = NC * NS

EPW = E // NW
CHUNK = 112
NFULL = EPW // CHUNK
TAIL = EPW - NFULL * CHUNK
RPT = NPAD // NS
RB = 80
NRB = RPT // RB

BR = 2000

_mesh = plsc.VectorSubcoreMesh(core_axis_name="c", subcore_axis_name="s")


def _hist_body(dst_hbm, ones_hbm, zeros_hbm, out_hbm, dst_v, ones_v,
               hist_sh, sem):
  cid = lax.axis_index("c")
  sid = lax.axis_index("s")
  wid = cid * NS + sid

  pltpu.sync_copy(ones_hbm, ones_v)

  @pl.loop(0, NRB)
  def _(k):
    pltpu.sync_copy(zeros_hbm, hist_sh.at[pl.ds(sid * RPT + k * RB, RB)])

  pltpu.sync_copy(dst_hbm.at[wid, 0], dst_v)
  plsc.subcore_barrier()

  @pl.loop(0, NFULL)
  def _(j):
    pltpu.sync_copy(ones_v, hist_sh.at[dst_v.at[pl.ds(j * CHUNK, CHUNK)]],
                    add=True)

  pltpu.sync_copy(ones_v.at[pl.ds(0, TAIL)],
                  hist_sh.at[dst_v.at[pl.ds(NFULL * CHUNK, TAIL)]], add=True)

  plsc.subcore_barrier()

  @pl.loop(0, NRB)
  def _(k):
    sl = pl.ds(sid * RPT + k * RB, RB)
    pltpu.sync_copy(hist_sh.at[sl], out_hbm.at[cid, sl])


def _sc_histogram(dst_idx, ones_blk, zeros_rb):
  return pl.kernel(
      _hist_body,
      out_type=jax.ShapeDtypeStruct((NC, NPAD, D), jnp.float32),
      mesh=_mesh,
      scratch_types=[
          pltpu.VMEM((EPW,), jnp.int32),
          pltpu.VMEM((CHUNK, D), jnp.float32),
          pltpu.VMEM_SHARED((NPAD, D), jnp.float32),
          pltpu.SemaphoreType.DMA,
      ],
  )(dst_idx, ones_blk, zeros_rb)


def _scat_body(h_hbm, src_hbm, dst_hbm, zeros_hbm, out_hbm, src_v, dst_v,
               rows_v, acc_sh, gsem0, gsem1, ssem0, ssem1):
  cid = lax.axis_index("c")
  sid = lax.axis_index("s")
  wid = cid * NS + sid

  @pl.loop(0, NRB)
  def _(k):
    pltpu.sync_copy(zeros_hbm, acc_sh.at[pl.ds(sid * RPT + k * RB, RB)])

  pltpu.sync_copy(src_hbm.at[wid, 0], src_v)
  pltpu.sync_copy(dst_hbm.at[wid, 0], dst_v)
  plsc.subcore_barrier()

  def gather_start(j, p, sem):
    pltpu.async_copy(
        h_hbm.at[src_v.at[pl.ds(j * CHUNK, CHUNK)]], rows_v.at[p], sem)

  def gather_wait(p, sem):
    pltpu.make_async_copy(
        h_hbm.at[src_v.at[pl.ds(0, CHUNK)]], rows_v.at[p], sem).wait()

  def scatter_add(j, p):
    pltpu.sync_copy(
        rows_v.at[p], acc_sh.at[dst_v.at[pl.ds(j * CHUNK, CHUNK)]], add=True)

  @pl.loop(0, NFULL)
  def _(j):
    gather_start(j, 0, gsem0)
    gather_wait(0, gsem0)
    scatter_add(j, 0)

  pltpu.async_copy(
      h_hbm.at[src_v.at[pl.ds(NFULL * CHUNK, TAIL)]],
      rows_v.at[1, pl.ds(0, TAIL)], gsem1)
  pltpu.make_async_copy(
      h_hbm.at[src_v.at[pl.ds(0, TAIL)]],
      rows_v.at[1, pl.ds(0, TAIL)], gsem1).wait()
  pltpu.sync_copy(
      rows_v.at[1, pl.ds(0, TAIL)],
      acc_sh.at[dst_v.at[pl.ds(NFULL * CHUNK, TAIL)]], add=True)

  plsc.subcore_barrier()

  @pl.loop(0, NRB)
  def _(k):
    sl = pl.ds(sid * RPT + k * RB, RB)
    pltpu.sync_copy(acc_sh.at[sl], out_hbm.at[cid, sl])


def _sc_scatter(h, src_idx, dst_idx, zeros_rb):
  return pl.kernel(
      _scat_body,
      out_type=jax.ShapeDtypeStruct((NC, NPAD, D), jnp.float32),
      mesh=_mesh,
      scratch_types=[
          pltpu.VMEM((EPW,), jnp.int32),
          pltpu.VMEM((EPW,), jnp.int32),
          pltpu.VMEM((2, CHUNK, D), jnp.float32),
          pltpu.VMEM_SHARED((NPAD, D), jnp.float32),
          pltpu.SemaphoreType.DMA,
          pltpu.SemaphoreType.DMA,
          pltpu.SemaphoreType.DMA,
          pltpu.SemaphoreType.DMA,
      ],
  )(h, src_idx, dst_idx, zeros_rb)


def _dinv_from_hist(hist_blk):
  deg = hist_blk[0, :, 0] + hist_blk[1, :, 0] + 1.0
  return lax.rsqrt(deg)[:, None]


def _tc_first_body(hist_ref, x_ref, w_ref, out_ref):
  dinv = _dinv_from_hist(hist_ref[...])
  h = jnp.dot(x_ref[...], w_ref[...], preferred_element_type=jnp.float32)
  out_ref[...] = h * dinv


def _tc_first(hist, x, W):
  return pl.pallas_call(
      _tc_first_body,
      grid=(N // BR,),
      in_specs=[
          pl.BlockSpec((NC, BR, D), lambda i: (0, i, 0)),
          pl.BlockSpec((BR, D), lambda i: (i, 0)),
          pl.BlockSpec((D, D), lambda i: (0, 0)),
      ],
      out_specs=pl.BlockSpec((BR, D), lambda i: (i, 0)),
      out_shape=jax.ShapeDtypeStruct((N, D), jnp.float32),
  )(hist, x, W)


def _tc_advance_body(hist_ref, acc_ref, h_ref, b_ref, w_ref, out_ref):
  dinv = _dinv_from_hist(hist_ref[...])
  z = (acc_ref[0] + acc_ref[1] + h_ref[...]) * dinv + b_ref[...]
  xn = jnp.maximum(z, 0.0)
  out_ref[...] = jnp.dot(
      xn, w_ref[...], preferred_element_type=jnp.float32) * dinv


def _tc_advance(hist, acc, h, b, W):
  return pl.pallas_call(
      _tc_advance_body,
      grid=(N // BR,),
      in_specs=[
          pl.BlockSpec((NC, BR, D), lambda i: (0, i, 0)),
          pl.BlockSpec((NC, BR, D), lambda i: (0, i, 0)),
          pl.BlockSpec((BR, D), lambda i: (i, 0)),
          pl.BlockSpec((1, D), lambda i: (0, 0)),
          pl.BlockSpec((D, D), lambda i: (0, 0)),
      ],
      out_specs=pl.BlockSpec((BR, D), lambda i: (i, 0)),
      out_shape=jax.ShapeDtypeStruct((N, D), jnp.float32),
  )(hist, acc, h, b, W)


def _tc_final_body(hist_ref, acc_ref, h_ref, b_ref, out_ref):
  dinv = _dinv_from_hist(hist_ref[...])
  out_ref[...] = (acc_ref[0] + acc_ref[1] + h_ref[...]) * dinv + b_ref[...]


def _tc_final(hist, acc, h, b):
  return pl.pallas_call(
      _tc_final_body,
      grid=(N // BR,),
      in_specs=[
          pl.BlockSpec((NC, BR, D), lambda i: (0, i, 0)),
          pl.BlockSpec((NC, BR, D), lambda i: (0, i, 0)),
          pl.BlockSpec((BR, D), lambda i: (i, 0)),
          pl.BlockSpec((1, D), lambda i: (0, 0)),
      ],
      out_specs=pl.BlockSpec((BR, D), lambda i: (i, 0)),
      out_shape=jax.ShapeDtypeStruct((N, D), jnp.float32),
  )(hist, acc, h, b)


def kernel(x, edge_index, W1, b1, W2, b2, W3, b3):
  src = edge_index[0].reshape(NW, 1, EPW)
  dst = edge_index[1].reshape(NW, 1, EPW)
  b1r = b1.reshape(1, D)
  b2r = b2.reshape(1, D)
  b3r = b3.reshape(1, D)

  ones_blk = jnp.ones((CHUNK, D), jnp.float32)
  zeros_rb = jnp.zeros((RB, D), jnp.float32)

  hist = _sc_histogram(dst, ones_blk, zeros_rb)
  h1 = _tc_first(hist, x, W1)
  acc1 = _sc_scatter(h1, src, dst, zeros_rb)
  h2 = _tc_advance(hist, acc1, h1, b1r, W2)
  acc2 = _sc_scatter(h2, src, dst, zeros_rb)
  h3 = _tc_advance(hist, acc2, h2, b2r, W3)
  acc3 = _sc_scatter(h3, src, dst, zeros_rb)
  out = _tc_final(hist, acc3, h3, b3r)
  return out

# --- scband reference (transcript-rebuilt; emitter-appended) ---
"""Pipeline reference for scband-general-gcn-12524124635756 (READ-ONLY COPY).

The authoritative reference and input builder live on the scoring server;
editing this copy changes nothing except your own understanding.
"""

import jax, jax.numpy as jnp
import numpy as np

N_NODES = 10000
N_EDGES = 320000
D_IN = 128
D_HID = 128
D_OUT = 128


def gcn_conv(x, edge_index, W, b):
    N = x.shape[0]
    loop = jnp.arange(N, dtype=edge_index.dtype)
    src = jnp.concatenate([edge_index[0], loop])
    dst = jnp.concatenate([edge_index[1], loop])
    deg = jax.ops.segment_sum(jnp.ones(src.shape[0], dtype=x.dtype), dst, num_segments=N)
    dinv = jnp.where(deg > 0, jax.lax.rsqrt(jnp.maximum(deg, 1e-12)), 0.0)
    norm = dinv[src] * dinv[dst]
    h = x @ W
    msg = jnp.take(h, src, axis=0) * norm[:, None]
    out = jax.ops.segment_sum(msg, dst, num_segments=N)
    return out + b


def setup_inputs(seed: int = 0) -> dict:
    key = jax.random.key(seed)
    ks = jax.random.split(key, 9)
    x = jax.random.normal(ks[0], (N_NODES, D_IN), dtype=jnp.float32)
    edge_index = jax.random.randint(ks[1], (2, N_EDGES), 0, N_NODES, dtype=jnp.int32)
    W1 = jax.random.normal(ks[2], (D_IN, D_HID), dtype=jnp.float32) / jnp.sqrt(D_IN)
    b1 = jnp.zeros((D_HID,), dtype=jnp.float32)
    W2 = jax.random.normal(ks[3], (D_HID, D_HID), dtype=jnp.float32) / jnp.sqrt(D_HID)
    b2 = jnp.zeros((D_HID,), dtype=jnp.float32)
    W3 = jax.random.normal(ks[4], (D_HID, D_OUT), dtype=jnp.float32) / jnp.sqrt(D_HID)
    b3 = jnp.zeros((D_OUT,), dtype=jnp.float32)
    return {"x": x, "edge_index": edge_index, "W1": W1, "b1": b1, "W2": W2, "b2": b2, "W3": W3, "b3": b3}


def reference(x, edge_index, W1, b1, W2, b2, W3, b3):
    h = jax.nn.relu(gcn_conv(x, edge_index, W1, b1))
    h = jax.nn.relu(gcn_conv(h, edge_index, W2, b2))
    out = gcn_conv(h, edge_index, W3, b3)
    return out

if __name__ == "__main__":
    import jax
    _d = setup_inputs()
    print(jax.jit(kernel)(*tuple(_d.values())))

</pallas_src>

<mosaic_0001>
#map = affine_map<(d0, d1) -> (0, 0, 0)>
#map1 = affine_map<(d0, d1) -> (0, 0)>
module attributes {stable_mosaic.version = 14 : i64} {
  func.func @_hist_body(%arg0: i32, %arg1: i32, %arg2: memref<32x1x10000xi32, #tpu.memory_space<hbm>>, %arg3: memref<112x128xf32, #tpu.memory_space<hbm>>, %arg4: memref<80x128xf32, #tpu.memory_space<hbm>>, %arg5: memref<2x10240x128xf32, #tpu.memory_space<hbm>>, %arg6: memref<10000xi32, #tpu.memory_space<vmem>>, %arg7: memref<112x128xf32, #tpu.memory_space<vmem>>, %arg8: memref<10240x128xf32, #tpu.memory_space<vmem_shared>>, %arg9: memref<!tpu.dma_semaphore, #tpu.memory_space<semaphore_mem>>) attributes {dimension_semantics = [#tpu.dimension_semantics<core_parallel>, #tpu.dimension_semantics<subcore_parallel>], iteration_bounds = array<i64: 2, 16>, scalar_prefetch = 0 : i64, scratch_operands = 4 : i64, tpu.core_type = #tpu.core_type<sc_vector_subcore>, window_params = [{transform_indices = #map}, {transform_indices = #map1}, {transform_indices = #map1}, {transform_indices = #map}]} {
    %mul3A = arith.constant 16 : i32
    %mul3A_0 = arith.muli %arg0, %mul3A : i32
    %add3A = arith.addi %mul3A_0, %arg1 : i32
    "tpu.region"() ({
      %run_scoped3A_16 = tpu.sem_alloc : memref<!tpu.dma_semaphore, #tpu.memory_space<semaphore_mem>>
      tpu.enqueue_dma source(%arg3 : memref<112x128xf32, #tpu.memory_space<hbm>>) target(%arg7 : memref<112x128xf32, #tpu.memory_space<vmem>>) target_semaphore(%run_scoped3A_16 : memref<!tpu.dma_semaphore, #tpu.memory_space<semaphore_mem>>)
      tpu.wait_dma2 semaphore(%run_scoped3A_16 : memref<!tpu.dma_semaphore, #tpu.memory_space<semaphore_mem>>) src(%arg3 : memref<112x128xf32, #tpu.memory_space<hbm>>) dst(%arg7 : memref<112x128xf32, #tpu.memory_space<vmem>>)
      tpu.yield
    }) : () -> ()
    %scan3A = arith.constant 0 : i32
    %scan3A_1 = arith.constant 8 : i32
    %scan3A_2 = arith.addi %scan3A, %scan3A_1 : i32
    %scan3A_3 = arith.constant 1 : i32
    scf.for %scan3A_16 = %scan3A to %scan3A_2 step %scan3A_3  : i32 {
      %mul3A_17 = arith.constant 1 : i32
      %mul3A_18 = arith.muli %scan3A_16, %mul3A_17 : i32
      %add3A_19 = arith.constant 0 : i32
      %add3A_20 = arith.addi %add3A_19, %mul3A_18 : i32
      %mul3A_21 = arith.constant 640 : i32
      %mul3A_22 = arith.muli %arg1, %mul3A_21 : i32
      %mul3A_23 = arith.constant 80 : i32
      %mul3A_24 = arith.muli %add3A_20, %mul3A_23 : i32
      %add3A_25 = arith.addi %mul3A_22, %mul3A_24 : i32
      "tpu.region"() ({
        %run_scoped3A_26 = tpu.sem_alloc : memref<!tpu.dma_semaphore, #tpu.memory_space<semaphore_mem>>
        %dma_start3A = arith.constant 0 : i32
        %dma_start3A_27 = tpu.memref_slice %arg8[%add3A_25, %dma_start3A] : memref<10240x128xf32, #tpu.memory_space<vmem_shared>> -> memref<80x128xf32, #tpu.memory_space<vmem_shared>>
        tpu.enqueue_dma source(%arg4 : memref<80x128xf32, #tpu.memory_space<hbm>>) target(%dma_start3A_27 : memref<80x128xf32, #tpu.memory_space<vmem_shared>>) target_semaphore(%run_scoped3A_26 : memref<!tpu.dma_semaphore, #tpu.memory_space<semaphore_mem>>)
        %dma_wait3A = arith.constant 0 : i32
        %dma_wait3A_28 = tpu.memref_slice %arg8[%add3A_25, %dma_wait3A] : memref<10240x128xf32, #tpu.memory_space<vmem_shared>> -> memref<80x128xf32, #tpu.memory_space<vmem_shared>>
        tpu.wait_dma2 semaphore(%run_scoped3A_26 : memref<!tpu.dma_semaphore, #tpu.memory_space<semaphore_mem>>) src(%arg4 : memref<80x128xf32, #tpu.memory_space<hbm>>) dst(%dma_wait3A_28 : memref<80x128xf32, #tpu.memory_space<vmem_shared>>)
        tpu.yield
      }) : () -> ()
    }
    %scan3A_4 = arith.constant 8 : i32
    %run_scoped3A = arith.constant 0 : i32
    "tpu.region"() ({
      %run_scoped3A_16 = tpu.sem_alloc : memref<!tpu.dma_semaphore, #tpu.memory_space<semaphore_mem>>
      %dma_start3A = arith.constant 0 : i32
      %dma_start3A_17 = tpu.memref_slice %arg2[%add3A, %run_scoped3A, %dma_start3A] : memref<32x1x10000xi32, #tpu.memory_space<hbm>> -> memref<1x1x10000xi32, #tpu.memory_space<hbm>>
      %dma_start3A_18 = tpu.memref_squeeze %dma_start3A_17 : memref<1x1x10000xi32, #tpu.memory_space<hbm>> -> memref<10000xi32, #tpu.memory_space<hbm>>
      %dma_start3A_19 = arith.constant 0 : i32
      %dma_start3A_20 = tpu.memref_slice %arg2[%add3A, %run_scoped3A, %dma_start3A_19] : memref<32x1x10000xi32, #tpu.memory_space<hbm>> -> memref<1x1x10000xi32, #tpu.memory_space<hbm>>
      %dma_start3A_21 = tpu.memref_squeeze %dma_start3A_20 : memref<1x1x10000xi32, #tpu.memory_space<hbm>> -> memref<10000xi32, #tpu.memory_space<hbm>>
      tpu.enqueue_dma source(%dma_start3A_21 : memref<10000xi32, #tpu.memory_space<hbm>>) target(%arg6 : memref<10000xi32, #tpu.memory_space<vmem>>) target_semaphore(%run_scoped3A_16 : memref<!tpu.dma_semaphore, #tpu.memory_space<semaphore_mem>>)
      %dma_wait3A = arith.constant 0 : i32
      %dma_wait3A_22 = tpu.memref_slice %arg2[%add3A, %run_scoped3A, %dma_wait3A] : memref<32x1x10000xi32, #tpu.memory_space<hbm>> -> memref<1x1x10000xi32, #tpu.memory_space<hbm>>
      %dma_wait3A_23 = tpu.memref_squeeze %dma_wait3A_22 : memref<1x1x10000xi32, #tpu.memory_space<hbm>> -> memref<10000xi32, #tpu.memory_space<hbm>>
      %dma_wait3A_24 = arith.constant 0 : i32
      %dma_wait3A_25 = tpu.memref_slice %arg2[%add3A, %run_scoped3A, %dma_wait3A_24] : memref<32x1x10000xi32, #tpu.memory_space<hbm>> -> memref<1x1x10000xi32, #tpu.memory_space<hbm>>
      %dma_wait3A_26 = tpu.memref_squeeze %dma_wait3A_25 : memref<1x1x10000xi32, #tpu.memory_space<hbm>> -> memref<10000xi32, #tpu.memory_space<hbm>>
      tpu.wait_dma2 semaphore(%run_scoped3A_16 : memref<!tpu.dma_semaphore, #tpu.memory_space<semaphore_mem>>) src(%dma_wait3A_26 : memref<10000xi32, #tpu.memory_space<hbm>>) dst(%arg6 : memref<10000xi32, #tpu.memory_space<vmem>>)
      tpu.yield
    }) : () -> ()
    %barrier3A = arith.constant 0 : index
    tpu.barrier barrier_id(%barrier3A)
    %scan3A_5 = arith.constant 0 : i32
    %scan3A_6 = arith.constant 89 : i32
    %scan3A_7 = arith.addi %scan3A_5, %scan3A_6 : i32
    %scan3A_8 = arith.constant 1 : i32
    scf.for %scan3A_16 = %scan3A_5 to %scan3A_7 step %scan3A_8  : i32 {
      %mul3A_17 = arith.constant 1 : i32
      %mul3A_18 = arith.muli %scan3A_16, %mul3A_17 : i32
      %add3A_19 = arith.constant 0 : i32
      %add3A_20 = arith.addi %add3A_19, %mul3A_18 : i32
      %mul3A_21 = arith.constant 112 : i32
      %mul3A_22 = arith.muli %add3A_20, %mul3A_21 : i32
      "tpu.region"() ({
        %run_scoped3A_23 = tpu.sem_alloc : memref<!tpu.dma_semaphore, #tpu.memory_space<semaphore_mem>>
        %dma_start3A = tpu.memref_slice %arg6[%mul3A_22] : memref<10000xi32, #tpu.memory_space<vmem>> -> memref<112xi32, #tpu.memory_space<vmem>>
        %dma_start3A_24 = arith.constant 0 : i32
        %dma_start3A_25 = arith.constant 0 : i32
        %dma_start3A_26 = tpu.memref_slice %arg8[%dma_start3A_24, %dma_start3A_25] : memref<10240x128xf32, #tpu.memory_space<vmem_shared>> -> memref<10240x128xf32, #tpu.memory_space<vmem_shared>>
        tpu.enqueue_indirect_dma source(%arg7 : memref<112x128xf32, #tpu.memory_space<vmem>>) target(%dma_start3A_26 : memref<10240x128xf32, #tpu.memory_space<vmem_shared>>) offsets(%dma_start3A : memref<112xi32, #tpu.memory_space<vmem>>) semaphore(%run_scoped3A_23 : memref<!tpu.dma_semaphore, #tpu.memory_space<semaphore_mem>>) {add = true}
        %dma_wait3A = tpu.memref_slice %arg6[%mul3A_22] : memref<10000xi32, #tpu.memory_space<vmem>> -> memref<112xi32, #tpu.memory_space<vmem>>
        %dma_wait3A_27 = arith.constant 0 : i32
        %dma_wait3A_28 = arith.constant 0 : i32
        %dma_wait3A_29 = tpu.memref_slice %arg8[%dma_wait3A_27, %dma_wait3A_28] : memref<10240x128xf32, #tpu.memory_space<vmem_shared>> -> memref<10240x128xf32, #tpu.memory_space<vmem_shared>>
        tpu.wait_indirect_dma semaphore(%run_scoped3A_23 : memref<!tpu.dma_semaphore, #tpu.memory_space<semaphore_mem>>) src(%arg7 : memref<112x128xf32, #tpu.memory_space<vmem>>) dst(%dma_wait3A_29 : memref<10240x128xf32, #tpu.memory_space<vmem_shared>>)
        tpu.yield
      }) : () -> ()
    }
    %scan3A_9 = arith.constant 89 : i32
    "tpu.region"() ({
      %run_scoped3A_16 = tpu.sem_alloc : memref<!tpu.dma_semaphore, #tpu.memory_space<semaphore_mem>>
      %dma_start3A = arith.constant 0 : i32
      %dma_start3A_17 = arith.constant 0 : i32
      %dma_start3A_18 = tpu.memref_slice %arg7[%dma_start3A, %dma_start3A_17] : memref<112x128xf32, #tpu.memory_space<vmem>> -> memref<32x128xf32, #tpu.memory_space<vmem>>
      %dma_start3A_19 = arith.constant 9968 : i32
      %dma_start3A_20 = tpu.memref_slice %arg6[%dma_start3A_19] : memref<10000xi32, #tpu.memory_space<vmem>> -> memref<32xi32, #tpu.memory_space<vmem>>
      %dma_start3A_21 = arith.constant 0 : i32
      %dma_start3A_22 = arith.constant 0 : i32
      %dma_start3A_23 = tpu.memref_slice %arg8[%dma_start3A_21, %dma_start3A_22] : memref<10240x128xf32, #tpu.memory_space<vmem_shared>> -> memref<10240x128xf32, #tpu.memory_space<vmem_shared>>
      tpu.enqueue_indirect_dma source(%dma_start3A_18 : memref<32x128xf32, #tpu.memory_space<vmem>>) target(%dma_start3A_23 : memref<10240x128xf32, #tpu.memory_space<vmem_shared>>) offsets(%dma_start3A_20 : memref<32xi32, #tpu.memory_space<vmem>>) semaphore(%run_scoped3A_16 : memref<!tpu.dma_semaphore, #tpu.memory_space<semaphore_mem>>) {add = true}
      %dma_wait3A = arith.constant 0 : i32
      %dma_wait3A_24 = arith.constant 0 : i32
      %dma_wait3A_25 = tpu.memref_slice %arg7[%dma_wait3A, %dma_wait3A_24] : memref<112x128xf32, #tpu.memory_space<vmem>> -> memref<32x128xf32, #tpu.memory_space<vmem>>
      %dma_wait3A_26 = arith.constant 9968 : i32
      %dma_wait3A_27 = tpu.memref_slice %arg6[%dma_wait3A_26] : memref<10000xi32, #tpu.memory_space<vmem>> -> memref<32xi32, #tpu.memory_space<vmem>>
      %dma_wait3A_28 = arith.constant 0 : i32
      %dma_wait3A_29 = arith.constant 0 : i32
      %dma_wait3A_30 = tpu.memref_slice %arg8[%dma_wait3A_28, %dma_wait3A_29] : memref<10240x128xf32, #tpu.memory_space<vmem_shared>> -> memref<10240x128xf32, #tpu.memory_space<vmem_shared>>
      tpu.wait_indirect_dma semaphore(%run_scoped3A_16 : memref<!tpu.dma_semaphore, #tpu.memory_space<semaphore_mem>>) src(%dma_wait3A_25 : memref<32x128xf32, #tpu.memory_space<vmem>>) dst(%dma_wait3A_30 : memref<10240x128xf32, #tpu.memory_space<vmem_shared>>)
      tpu.yield
    }) : () -> ()
    %barrier3A_10 = arith.constant 0 : index
    tpu.barrier barrier_id(%barrier3A_10)
    %scan3A_11 = arith.constant 0 : i32
    %scan3A_12 = arith.constant 8 : i32
    %scan3A_13 = arith.addi %scan3A_11, %scan3A_12 : i32
    %scan3A_14 = arith.constant 1 : i32
    scf.for %scan3A_16 = %scan3A_11 to %scan3A_13 step %scan3A_14  : i32 {
      %mul3A_17 = arith.constant 1 : i32
      %mul3A_18 = arith.muli %scan3A_16, %mul3A_17 : i32
      %add3A_19 = arith.constant 0 : i32
      %add3A_20 = arith.addi %add3A_19, %mul3A_18 : i32
      %mul3A_21 = arith.constant 640 : i32
      %mul3A_22 = arith.muli %arg1, %mul3A_21 : i32
      %mul3A_23 = arith.constant 80 : i32
      %mul3A_24 = arith.muli %add3A_20, %mul3A_23 : i32
      %add3A_25 = arith.addi %mul3A_22, %mul3A_24 : i32
      "tpu.region"() ({
        %run_scoped3A_26 = tpu.sem_alloc : memref<!tpu.dma_semaphore, #tpu.memory_space<semaphore_mem>>
        %dma_start3A = arith.constant 0 : i32
        %dma_start3A_27 = tpu.memref_slice %arg5[%arg0, %add3A_25, %dma_start3A] : memref<2x10240x128xf32, #tpu.memory_space<hbm>> -> memref<1x80x128xf32, #tpu.memory_space<hbm>>
        %dma_start3A_28 = tpu.memref_squeeze %dma_start3A_27 : memref<1x80x128xf32, #tpu.memory_space<hbm>> -> memref<80x128xf32, #tpu.memory_space<hbm>>
        %dma_start3A_29 = arith.constant 0 : i32
        %dma_start3A_30 = tpu.memref_slice %arg8[%add3A_25, %dma_start3A_29] : memref<10240x128xf32, #tpu.memory_space<vmem_shared>> -> memref<80x128xf32, #tpu.memory_space<vmem_shared>>
        tpu.enqueue_dma source(%dma_start3A_30 : memref<80x128xf32, #tpu.memory_space<vmem_shared>>) target(%dma_start3A_28 : memref<80x128xf32, #tpu.memory_space<hbm>>) target_semaphore(%run_scoped3A_26 : memref<!tpu.dma_semaphore, #tpu.memory_space<semaphore_mem>>)
        %dma_wait3A = arith.constant 0 : i32
        %dma_wait3A_31 = tpu.memref_slice %arg5[%arg0, %add3A_25, %dma_wait3A] : memref<2x10240x128xf32, #tpu.memory_space<hbm>> -> memref<1x80x128xf32, #tpu.memory_space<hbm>>
        %dma_wait3A_32 = tpu.memref_squeeze %dma_wait3A_31 : memref<1x80x128xf32, #tpu.memory_space<hbm>> -> memref<80x128xf32, #tpu.memory_space<hbm>>
        %dma_wait3A_33 = arith.constant 0 : i32
        %dma_wait3A_34 = tpu.memref_slice %arg8[%add3A_25, %dma_wait3A_33] : memref<10240x128xf32, #tpu.memory_space<vmem_shared>> -> memref<80x128xf32, #tpu.memory_space<vmem_shared>>
        tpu.wait_dma2 semaphore(%run_scoped3A_26 : memref<!tpu.dma_semaphore, #tpu.memory_space<semaphore_mem>>) src(%dma_wait3A_34 : memref<80x128xf32, #tpu.memory_space<vmem_shared>>) dst(%dma_wait3A_32 : memref<80x128xf32, #tpu.memory_space<hbm>>)
        tpu.yield
      }) : () -> ()
    }
    %scan3A_15 = arith.constant 8 : i32
    return
  }
}

#map = affine_map<(d0, d1) -> (0, 0)>
#map1 = affine_map<(d0, d1) -> (0, 0, 0)>
module attributes {stable_mosaic.version = 14 : i64} {
  func.func @_scat_body(%arg0: i32, %arg1: i32, %arg2: memref<10000x128xf32, #tpu.memory_space<hbm>>, %arg3: memref<32x1x10000xi32, #tpu.memory_space<hbm>>, %arg4: memref<32x1x10000xi32, #tpu.memory_space<hbm>>, %arg5: memref<80x128xf32, #tpu.memory_space<hbm>>, %arg6: memref<2x10240x128xf32, #tpu.memory_space<hbm>>, %arg7: memref<10000xi32, #tpu.memory_space<vmem>>, %arg8: memref<10000xi32, #tpu.memory_space<vmem>>, %arg9: memref<2x112x128xf32, #tpu.memory_space<vmem>>, %arg10: memref<10240x128xf32, #tpu.memory_space<vmem_shared>>, %arg11: memref<!tpu.dma_semaphore, #tpu.memory_space<semaphore_mem>>, %arg12: memref<!tpu.dma_semaphore, #tpu.memory_space<semaphore_mem>>, %arg13: memref<!tpu.dma_semaphore, #tpu.memory_space<semaphore_mem>>, %arg14: memref<!tpu.dma_semaphore, #tpu.memory_space<semaphore_mem>>) attributes {dimension_semantics = [#tpu.dimension_semantics<core_parallel>, #tpu.dimension_semantics<subcore_parallel>], iteration_bounds = array<i64: 2, 16>, scalar_prefetch = 0 : i64, scratch_operands = 8 : i64, tpu.core_type = #tpu.core_type<sc_vector_subcore>, window_params = [{transform_indices = #map}, {transform_indices = #map1}, {transform_indices = #map1}, {transform_indices = #map}, {transform_indices = #map1}]} {
    %mul3A = arith.constant 16 : i32
    %mul3A_0 = arith.muli %arg0, %mul3A : i32
    %add3A = arith.addi %mul3A_0, %arg1 : i32
    %scan3A = arith.constant 0 : i32
    %scan3A_1 = arith.constant 8 : i32
    %scan3A_2 = arith.addi %scan3A, %scan3A_1 : i32
    %scan3A_3 = arith.constant 1 : i32
    scf.for %scan3A_36 = %scan3A to %scan3A_2 step %scan3A_3  : i32 {
      %mul3A_37 = arith.constant 1 : i32
      %mul3A_38 = arith.muli %scan3A_36, %mul3A_37 : i32
      %add3A_39 = arith.constant 0 : i32
      %add3A_40 = arith.addi %add3A_39, %mul3A_38 : i32
      %mul3A_41 = arith.constant 640 : i32
      %mul3A_42 = arith.muli %arg1, %mul3A_41 : i32
      %mul3A_43 = arith.constant 80 : i32
      %mul3A_44 = arith.muli %add3A_40, %mul3A_43 : i32
      %add3A_45 = arith.addi %mul3A_42, %mul3A_44 : i32
      "tpu.region"() ({
        %run_scoped3A_46 = tpu.sem_alloc : memref<!tpu.dma_semaphore, #tpu.memory_space<semaphore_mem>>
        %dma_start3A_47 = arith.constant 0 : i32
        %dma_start3A_48 = tpu.memref_slice %arg10[%add3A_45, %dma_start3A_47] : memref<10240x128xf32, #tpu.memory_space<vmem_shared>> -> memref<80x128xf32, #tpu.memory_space<vmem_shared>>
        tpu.enqueue_dma source(%arg5 : memref<80x128xf32, #tpu.memory_space<hbm>>) target(%dma_start3A_48 : memref<80x128xf32, #tpu.memory_space<vmem_shared>>) target_semaphore(%run_scoped3A_46 : memref<!tpu.dma_semaphore, #tpu.memory_space<semaphore_mem>>)
        %dma_wait3A_49 = arith.constant 0 : i32
        %dma_wait3A_50 = tpu.memref_slice %arg10[%add3A_45, %dma_wait3A_49] : memref<10240x128xf32, #tpu.memory_space<vmem_shared>> -> memref<80x128xf32, #tpu.memory_space<vmem_shared>>
        tpu.wait_dma2 semaphore(%run_scoped3A_46 : memref<!tpu.dma_semaphore, #tpu.memory_space<semaphore_mem>>) src(%arg5 : memref<80x128xf32, #tpu.memory_space<hbm>>) dst(%dma_wait3A_50 : memref<80x128xf32, #tpu.memory_space<vmem_shared>>)
        tpu.yield
      }) : () -> ()
    }
    %scan3A_4 = arith.constant 8 : i32
    %run_scoped3A = arith.constant 0 : i32
    "tpu.region"() ({
      %run_scoped3A_36 = tpu.sem_alloc : memref<!tpu.dma_semaphore, #tpu.memory_space<semaphore_mem>>
      %dma_start3A_37 = arith.constant 0 : i32
      %dma_start3A_38 = tpu.memref_slice %arg3[%add3A, %run_scoped3A, %dma_start3A_37] : memref<32x1x10000xi32, #tpu.memory_space<hbm>> -> memref<1x1x10000xi32, #tpu.memory_space<hbm>>
      %dma_start3A_39 = tpu.memref_squeeze %dma_start3A_38 : memref<1x1x10000xi32, #tpu.memory_space<hbm>> -> memref<10000xi32, #tpu.memory_space<hbm>>
      %dma_start3A_40 = arith.constant 0 : i32
      %dma_start3A_41 = tpu.memref_slice %arg3[%add3A, %run_scoped3A, %dma_start3A_40] : memref<32x1x10000xi32, #tpu.memory_space<hbm>> -> memref<1x1x10000xi32, #tpu.memory_space<hbm>>
      %dma_start3A_42 = tpu.memref_squeeze %dma_start3A_41 : memref<1x1x10000xi32, #tpu.memory_space<hbm>> -> memref<10000xi32, #tpu.memory_space<hbm>>
      tpu.enqueue_dma source(%dma_start3A_42 : memref<10000xi32, #tpu.memory_space<hbm>>) target(%arg7 : memref<10000xi32, #tpu.memory_space<vmem>>) target_semaphore(%run_scoped3A_36 : memref<!tpu.dma_semaphore, #tpu.memory_space<semaphore_mem>>)
      %dma_wait3A_43 = arith.constant 0 : i32
      %dma_wait3A_44 = tpu.memref_slice %arg3[%add3A, %run_scoped3A, %dma_wait3A_43] : memref<32x1x10000xi32, #tpu.memory_space<hbm>> -> memref<1x1x10000xi32, #tpu.memory_space<hbm>>
      %dma_wait3A_45 = tpu.memref_squeeze %dma_wait3A_44 : memref<1x1x10000xi32, #tpu.memory_space<hbm>> -> memref<10000xi32, #tpu.memory_space<hbm>>
      %dma_wait3A_46 = arith.constant 0 : i32
      %dma_wait3A_47 = tpu.memref_slice %arg3[%add3A, %run_scoped3A, %dma_wait3A_46] : memref<32x1x10000xi32, #tpu.memory_space<hbm>> -> memref<1x1x10000xi32, #tpu.memory_space<hbm>>
      %dma_wait3A_48 = tpu.memref_squeeze %dma_wait3A_47 : memref<1x1x10000xi32, #tpu.memory_space<hbm>> -> memref<10000xi32, #tpu.memory_space<hbm>>
      tpu.wait_dma2 semaphore(%run_scoped3A_36 : memref<!tpu.dma_semaphore, #tpu.memory_space<semaphore_mem>>) src(%dma_wait3A_48 : memref<10000xi32, #tpu.memory_space<hbm>>) dst(%arg7 : memref<10000xi32, #tpu.memory_space<vmem>>)
      tpu.yield
    }) : () -> ()
    %run_scoped3A_5 = arith.constant 0 : i32
    "tpu.region"() ({
      %run_scoped3A_36 = tpu.sem_alloc : memref<!tpu.dma_semaphore, #tpu.memory_space<semaphore_mem>>
      %dma_start3A_37 = arith.constant 0 : i32
      %dma_start3A_38 = tpu.memref_slice %arg4[%add3A, %run_scoped3A_5, %dma_start3A_37] : memref<32x1x10000xi32, #tpu.memory_space<hbm>> -> memref<1x1x10000xi32, #tpu.memory_space<hbm>>
      %dma_start3A_39 = tpu.memref_squeeze %dma_start3A_38 : memref<1x1x10000xi32, #tpu.memory_space<hbm>> -> memref<10000xi32, #tpu.memory_space<hbm>>
      %dma_start3A_40 = arith.constant 0 : i32
      %dma_start3A_41 = tpu.memref_slice %arg4[%add3A, %run_scoped3A_5, %dma_start3A_40] : memref<32x1x10000xi32, #tpu.memory_space<hbm>> -> memref<1x1x10000xi32, #tpu.memory_space<hbm>>
      %dma_start3A_42 = tpu.memref_squeeze %dma_start3A_41 : memref<1x1x10000xi32, #tpu.memory_space<hbm>> -> memref<10000xi32, #tpu.memory_space<hbm>>
      tpu.enqueue_dma source(%dma_start3A_42 : memref<10000xi32, #tpu.memory_space<hbm>>) target(%arg8 : memref<10000xi32, #tpu.memory_space<vmem>>) target_semaphore(%run_scoped3A_36 : memref<!tpu.dma_semaphore, #tpu.memory_space<semaphore_mem>>)
      %dma_wait3A_43 = arith.constant 0 : i32
      %dma_wait3A_44 = tpu.memref_slice %arg4[%add3A, %run_scoped3A_5, %dma_wait3A_43] : memref<32x1x10000xi32, #tpu.memory_space<hbm>> -> memref<1x1x10000xi32, #tpu.memory_space<hbm>>
      %dma_wait3A_45 = tpu.memref_squeeze %dma_wait3A_44 : memref<1x1x10000xi32, #tpu.memory_space<hbm>> -> memref<10000xi32, #tpu.memory_space<hbm>>
      %dma_wait3A_46 = arith.constant 0 : i32
      %dma_wait3A_47 = tpu.memref_slice %arg4[%add3A, %run_scoped3A_5, %dma_wait3A_46] : memref<32x1x10000xi32, #tpu.memory_space<hbm>> -> memref<1x1x10000xi32, #tpu.memory_space<hbm>>
      %dma_wait3A_48 = tpu.memref_squeeze %dma_wait3A_47 : memref<1x1x10000xi32, #tpu.memory_space<hbm>> -> memref<10000xi32, #tpu.memory_space<hbm>>
      tpu.wait_dma2 semaphore(%run_scoped3A_36 : memref<!tpu.dma_semaphore, #tpu.memory_space<semaphore_mem>>) src(%dma_wait3A_48 : memref<10000xi32, #tpu.memory_space<hbm>>) dst(%arg8 : memref<10000xi32, #tpu.memory_space<vmem>>)
      tpu.yield
    }) : () -> ()
    %barrier3A = arith.constant 0 : index
    tpu.barrier barrier_id(%barrier3A)
    %scan3A_6 = arith.constant 0 : i32
    %scan3A_7 = arith.constant 89 : i32
    %scan3A_8 = arith.addi %scan3A_6, %scan3A_7 : i32
    %scan3A_9 = arith.constant 1 : i32
    scf.for %scan3A_36 = %scan3A_6 to %scan3A_8 step %scan3A_9  : i32 {
      %mul3A_37 = arith.constant 1 : i32
      %mul3A_38 = arith.muli %scan3A_36, %mul3A_37 : i32
      %add3A_39 = arith.constant 0 : i32
      %add3A_40 = arith.addi %add3A_39, %mul3A_38 : i32
      %mul3A_41 = arith.constant 112 : i32
      %mul3A_42 = arith.muli %add3A_40, %mul3A_41 : i32
      %dma_start3A_43 = arith.constant 0 : i32
      %dma_start3A_44 = arith.constant 0 : i32
      %dma_start3A_45 = arith.constant 0 : i32
      %dma_start3A_46 = tpu.memref_slice %arg9[%dma_start3A_43, %dma_start3A_44, %dma_start3A_45] : memref<2x112x128xf32, #tpu.memory_space<vmem>> -> memref<1x112x128xf32, #tpu.memory_space<vmem>>
      %dma_start3A_47 = tpu.memref_squeeze %dma_start3A_46 : memref<1x112x128xf32, #tpu.memory_space<vmem>> -> memref<112x128xf32, #tpu.memory_space<vmem>>
      %dma_start3A_48 = tpu.memref_slice %arg7[%mul3A_42] : memref<10000xi32, #tpu.memory_space<vmem>> -> memref<112xi32, #tpu.memory_space<vmem>>
      %dma_start3A_49 = arith.constant 0 : i32
      %dma_start3A_50 = arith.constant 0 : i32
      %dma_start3A_51 = tpu.memref_slice %arg2[%dma_start3A_49, %dma_start3A_50] : memref<10000x128xf32, #tpu.memory_space<hbm>> -> memref<10000x128xf32, #tpu.memory_space<hbm>>
      tpu.enqueue_indirect_dma source(%dma_start3A_51 : memref<10000x128xf32, #tpu.memory_space<hbm>>) target(%dma_start3A_47 : memref<112x128xf32, #tpu.memory_space<vmem>>) offsets(%dma_start3A_48 : memref<112xi32, #tpu.memory_space<vmem>>) semaphore(%arg11 : memref<!tpu.dma_semaphore, #tpu.memory_space<semaphore_mem>>)
      %dma_wait3A_52 = arith.constant 0 : i32
      %dma_wait3A_53 = arith.constant 0 : i32
      %dma_wait3A_54 = arith.constant 0 : i32
      %dma_wait3A_55 = tpu.memref_slice %arg9[%dma_wait3A_52, %dma_wait3A_53, %dma_wait3A_54] : memref<2x112x128xf32, #tpu.memory_space<vmem>> -> memref<1x112x128xf32, #tpu.memory_space<vmem>>
      %dma_wait3A_56 = tpu.memref_squeeze %dma_wait3A_55 : memref<1x112x128xf32, #tpu.memory_space<vmem>> -> memref<112x128xf32, #tpu.memory_space<vmem>>
      %dma_wait3A_57 = arith.constant 0 : i32
      %dma_wait3A_58 = tpu.memref_slice %arg7[%dma_wait3A_57] : memref<10000xi32, #tpu.memory_space<vmem>> -> memref<112xi32, #tpu.memory_space<vmem>>
      %dma_wait3A_59 = arith.constant 0 : i32
      %dma_wait3A_60 = arith.constant 0 : i32
      %dma_wait3A_61 = tpu.memref_slice %arg2[%dma_wait3A_59, %dma_wait3A_60] : memref<10000x128xf32, #tpu.memory_space<hbm>> -> memref<10000x128xf32, #tpu.memory_space<hbm>>
      tpu.wait_indirect_dma semaphore(%arg11 : memref<!tpu.dma_semaphore, #tpu.memory_space<semaphore_mem>>) src(%dma_wait3A_61 : memref<10000x128xf32, #tpu.memory_space<hbm>>) dst(%dma_wait3A_56 : memref<112x128xf32, #tpu.memory_space<vmem>>)
      %mul3A_62 = arith.constant 112 : i32
      %mul3A_63 = arith.muli %add3A_40, %mul3A_62 : i32
      %run_scoped3A_64 = arith.constant 0 : i32
      "tpu.region"() ({
        %run_scoped3A_65 = tpu.sem_alloc : memref<!tpu.dma_semaphore, #tpu.memory_space<semaphore_mem>>
        %dma_start3A_66 = arith.constant 0 : i32
        %dma_start3A_67 = arith.constant 0 : i32
        %dma_start3A_68 = tpu.memref_slice %arg9[%run_scoped3A_64, %dma_start3A_66, %dma_start3A_67] : memref<2x112x128xf32, #tpu.memory_space<vmem>> -> memref<1x112x128xf32, #tpu.memory_space<vmem>>
        %dma_start3A_69 = tpu.memref_squeeze %dma_start3A_68 : memref<1x112x128xf32, #tpu.memory_space<vmem>> -> memref<112x128xf32, #tpu.memory_space<vmem>>
        %dma_start3A_70 = tpu.memref_slice %arg8[%mul3A_63] : memref<10000xi32, #tpu.memory_space<vmem>> -> memref<112xi32, #tpu.memory_space<vmem>>
        %dma_start3A_71 = arith.constant 0 : i32
        %dma_start3A_72 = arith.constant 0 : i32
        %dma_start3A_73 = tpu.memref_slice %arg10[%dma_start3A_71, %dma_start3A_72] : memref<10240x128xf32, #tpu.memory_space<vmem_shared>> -> memref<10240x128xf32, #tpu.memory_space<vmem_shared>>
        tpu.enqueue_indirect_dma source(%dma_start3A_69 : memref<112x128xf32, #tpu.memory_space<vmem>>) target(%dma_start3A_73 : memref<10240x128xf32, #tpu.memory_space<vmem_shared>>) offsets(%dma_start3A_70 : memref<112xi32, #tpu.memory_space<vmem>>) semaphore(%run_scoped3A_65 : memref<!tpu.dma_semaphore, #tpu.memory_space<semaphore_mem>>) {add = true}
        %dma_wait3A_74 = arith.constant 0 : i32
        %dma_wait3A_75 = arith.constant 0 : i32
        %dma_wait3A_76 = tpu.memref_slice %arg9[%run_scoped3A_64, %dma_wait3A_74, %dma_wait3A_75] : memref<2x112x128xf32, #tpu.memory_space<vmem>> -> memref<1x112x128xf32, #tpu.memory_space<vmem>>
        %dma_wait3A_77 = tpu.memref_squeeze %dma_wait3A_76 : memref<1x112x128xf32, #tpu.memory_space<vmem>> -> memref<112x128xf32, #tpu.memory_space<vmem>>
        %dma_wait3A_78 = tpu.memref_slice %arg8[%mul3A_63] : memref<10000xi32, #tpu.memory_space<vmem>> -> memref<112xi32, #tpu.memory_space<vmem>>
        %dma_wait3A_79 = arith.constant 0 : i32
        %dma_wait3A_80 = arith.constant 0 : i32
        %dma_wait3A_81 = tpu.memref_slice %arg10[%dma_wait3A_79, %dma_wait3A_80] : memref<10240x128xf32, #tpu.memory_space<vmem_shared>> -> memref<10240x128xf32, #tpu.memory_space<vmem_shared>>
        tpu.wait_indirect_dma semaphore(%run_scoped3A_65 : memref<!tpu.dma_semaphore, #tpu.memory_space<semaphore_mem>>) src(%dma_wait3A_77 : memref<112x128xf32, #tpu.memory_space<vmem>>) dst(%dma_wait3A_81 : memref<10240x128xf32, #tpu.memory_space<vmem_shared>>)
        tpu.yield
      }) : () -> ()
    }
    %scan3A_10 = arith.constant 89 : i32
    %dma_start3A = arith.constant 1 : i32
    %dma_start3A_11 = arith.constant 0 : i32
    %dma_start3A_12 = arith.constant 0 : i32
    %dma_start3A_13 = tpu.memref_slice %arg9[%dma_start3A, %dma_start3A_11, %dma_start3A_12] : memref<2x112x128xf32, #tpu.memory_space<vmem>> -> memref<1x32x128xf32, #tpu.memory_space<vmem>>
    %dma_start3A_14 = tpu.memref_squeeze %dma_start3A_13 : memref<1x32x128xf32, #tpu.memory_space<vmem>> -> memref<32x128xf32, #tpu.memory_space<vmem>>
    %dma_start3A_15 = arith.constant 9968 : i32
    %dma_start3A_16 = tpu.memref_slice %arg7[%dma_start3A_15] : memref<10000xi32, #tpu.memory_space<vmem>> -> memref<32xi32, #tpu.memory_space<vmem>>
    %dma_start3A_17 = arith.constant 0 : i32
    %dma_start3A_18 = arith.constant 0 : i32
    %dma_start3A_19 = tpu.memref_slice %arg2[%dma_start3A_17, %dma_start3A_18] : memref<10000x128xf32, #tpu.memory_space<hbm>> -> memref<10000x128xf32, #tpu.memory_space<hbm>>
    tpu.enqueue_indirect_dma source(%dma_start3A_19 : memref<10000x128xf32, #tpu.memory_space<hbm>>) target(%dma_start3A_14 : memref<32x128xf32, #tpu.memory_space<vmem>>) offsets(%dma_start3A_16 : memref<32xi32, #tpu.memory_space<vmem>>) semaphore(%arg12 : memref<!tpu.dma_semaphore, #tpu.memory_space<semaphore_mem>>)
    %dma_wait3A = arith.constant 1 : i32
    %dma_wait3A_20 = arith.constant 0 : i32
    %dma_wait3A_21 = arith.constant 0 : i32
    %dma_wait3A_22 = tpu.memref_slice %arg9[%dma_wait3A, %dma_wait3A_20, %dma_wait3A_21] : memref<2x112x128xf32, #tpu.memory_space<vmem>> -> memref<1x32x128xf32, #tpu.memory_space<vmem>>
    %dma_wait3A_23 = tpu.memref_squeeze %dma_wait3A_22 : memref<1x32x128xf32, #tpu.memory_space<vmem>> -> memref<32x128xf32, #tpu.memory_space<vmem>>
    %dma_wait3A_24 = arith.constant 0 : i32
    %dma_wait3A_25 = tpu.memref_slice %arg7[%dma_wait3A_24] : memref<10000xi32, #tpu.memory_space<vmem>> -> memref<32xi32, #tpu.memory_space<vmem>>
    %dma_wait3A_26 = arith.constant 0 : i32
    %dma_wait3A_27 = arith.constant 0 : i32
    %dma_wait3A_28 = tpu.memref_slice %arg2[%dma_wait3A_26, %dma_wait3A_27] : memref<10000x128xf32, #tpu.memory_space<hbm>> -> memref<10000x128xf32, #tpu.memory_space<hbm>>
    tpu.wait_indirect_dma semaphore(%arg12 : memref<!tpu.dma_semaphore, #tpu.memory_space<semaphore_mem>>) src(%dma_wait3A_28 : memref<10000x128xf32, #tpu.memory_space<hbm>>) dst(%dma_wait3A_23 : memref<32x128xf32, #tpu.memory_space<vmem>>)
    %run_scoped3A_29 = arith.constant 1 : i32
    "tpu.region"() ({
      %run_scoped3A_36 = tpu.sem_alloc : memref<!tpu.dma_semaphore, #tpu.memory_space<semaphore_mem>>
      %dma_start3A_37 = arith.constant 0 : i32
      %dma_start3A_38 = arith.constant 0 : i32
      %dma_start3A_39 = tpu.memref_slice %arg9[%run_scoped3A_29, %dma_start3A_37, %dma_start3A_38] : memref<2x112x128xf32, #tpu.memory_space<vmem>> -> memref<1x32x128xf32, #tpu.memory_space<vmem>>
      %dma_start3A_40 = tpu.memref_squeeze %dma_start3A_39 : memref<1x32x128xf32, #tpu.memory_space<vmem>> -> memref<32x128xf32, #tpu.memory_space<vmem>>
      %dma_start3A_41 = arith.constant 9968 : i32
      %dma_start3A_42 = tpu.memref_slice %arg8[%dma_start3A_41] : memref<10000xi32, #tpu.memory_space<vmem>> -> memref<32xi32, #tpu.memory_space<vmem>>
      %dma_start3A_43 = arith.constant 0 : i32
      %dma_start3A_44 = arith.constant 0 : i32
      %dma_start3A_45 = tpu.memref_slice %arg10[%dma_start3A_43, %dma_start3A_44] : memref<10240x128xf32, #tpu.memory_space<vmem_shared>> -> memref<10240x128xf32, #tpu.memory_space<vmem_shared>>
      tpu.enqueue_indirect_dma source(%dma_start3A_40 : memref<32x128xf32, #tpu.memory_space<vmem>>) target(%dma_start3A_45 : memref<10240x128xf32, #tpu.memory_space<vmem_shared>>) offsets(%dma_start3A_42 : memref<32xi32, #tpu.memory_space<vmem>>) semaphore(%run_scoped3A_36 : memref<!tpu.dma_semaphore, #tpu.memory_space<semaphore_mem>>) {add = true}
      %dma_wait3A_46 = arith.constant 0 : i32
      %dma_wait3A_47 = arith.constant 0 : i32
      %dma_wait3A_48 = tpu.memref_slice %arg9[%run_scoped3A_29, %dma_wait3A_46, %dma_wait3A_47] : memref<2x112x128xf32, #tpu.memory_space<vmem>> -> memref<1x32x128xf32, #tpu.memory_space<vmem>>
      %dma_wait3A_49 = tpu.memref_squeeze %dma_wait3A_48 : memref<1x32x128xf32, #tpu.memory_space<vmem>> -> memref<32x128xf32, #tpu.memory_space<vmem>>
      %dma_wait3A_50 = arith.constant 9968 : i32
      %dma_wait3A_51 = tpu.memref_slice %arg8[%dma_wait3A_50] : memref<10000xi32, #tpu.memory_space<vmem>> -> memref<32xi32, #tpu.memory_space<vmem>>
      %dma_wait3A_52 = arith.constant 0 : i32
      %dma_wait3A_53 = arith.constant 0 : i32
      %dma_wait3A_54 = tpu.memref_slice %arg10[%dma_wait3A_52, %dma_wait3A_53] : memref<10240x128xf32, #tpu.memory_space<vmem_shared>> -> memref<10240x128xf32, #tpu.memory_space<vmem_shared>>
      tpu.wait_indirect_dma semaphore(%run_scoped3A_36 : memref<!tpu.dma_semaphore, #tpu.memory_space<semaphore_mem>>) src(%dma_wait3A_49 : memref<32x128xf32, #tpu.memory_space<vmem>>) dst(%dma_wait3A_54 : memref<10240x128xf32, #tpu.memory_space<vmem_shared>>)
      tpu.yield
    }) : () -> ()
    %barrier3A_30 = arith.constant 0 : index
    tpu.barrier barrier_id(%barrier3A_30)
    %scan3A_31 = arith.constant 0 : i32
    %scan3A_32 = arith.constant 8 : i32
    %scan3A_33 = arith.addi %scan3A_31, %scan3A_32 : i32
    %scan3A_34 = arith.constant 1 : i32
    scf.for %scan3A_36 = %scan3A_31 to %scan3A_33 step %scan3A_34  : i32 {
      %mul3A_37 = arith.constant 1 : i32
      %mul3A_38 = arith.muli %scan3A_36, %mul3A_37 : i32
      %add3A_39 = arith.constant 0 : i32
      %add3A_40 = arith.addi %add3A_39, %mul3A_38 : i32
      %mul3A_41 = arith.constant 640 : i32
      %mul3A_42 = arith.muli %arg1, %mul3A_41 : i32
      %mul3A_43 = arith.constant 80 : i32
      %mul3A_44 = arith.muli %add3A_40, %mul3A_43 : i32
      %add3A_45 = arith.addi %mul3A_42, %mul3A_44 : i32
      "tpu.region"() ({
        %run_scoped3A_46 = tpu.sem_alloc : memref<!tpu.dma_semaphore, #tpu.memory_space<semaphore_mem>>
        %dma_start3A_47 = arith.constant 0 : i32
        %dma_start3A_48 = tpu.memref_slice %arg6[%arg0, %add3A_45, %dma_start3A_47] : memref<2x10240x128xf32, #tpu.memory_space<hbm>> -> memref<1x80x128xf32, #tpu.memory_space<hbm>>
        %dma_start3A_49 = tpu.memref_squeeze %dma_start3A_48 : memref<1x80x128xf32, #tpu.memory_space<hbm>> -> memref<80x128xf32, #tpu.memory_space<hbm>>
        %dma_start3A_50 = arith.constant 0 : i32
        %dma_start3A_51 = tpu.memref_slice %arg10[%add3A_45, %dma_start3A_50] : memref<10240x128xf32, #tpu.memory_space<vmem_shared>> -> memref<80x128xf32, #tpu.memory_space<vmem_shared>>
        tpu.enqueue_dma source(%dma_start3A_51 : memref<80x128xf32, #tpu.memory_space<vmem_shared>>) target(%dma_start3A_49 : memref<80x128xf32, #tpu.memory_space<hbm>>) target_semaphore(%run_scoped3A_46 : memref<!tpu.dma_semaphore, #tpu.memory_space<semaphore_mem>>)
        %dma_wait3A_52 = arith.constant 0 : i32
        %dma_wait3A_53 = tpu.memref_slice %arg6[%arg0, %add3A_45, %dma_wait3A_52] : memref<2x10240x128xf32, #tpu.memory_space<hbm>> -> memref<1x80x128xf32, #tpu.memory_space<hbm>>
        %dma_wait3A_54 = tpu.memref_squeeze %dma_wait3A_53 : memref<1x80x128xf32, #tpu.memory_space<hbm>> -> memref<80x128xf32, #tpu.memory_space<hbm>>
        %dma_wait3A_55 = arith.constant 0 : i32
        %dma_wait3A_56 = tpu.memref_slice %arg10[%add3A_45, %dma_wait3A_55] : memref<10240x128xf32, #tpu.memory_space<vmem_shared>> -> memref<80x128xf32, #tpu.memory_space<vmem_shared>>
        tpu.wait_dma2 semaphore(%run_scoped3A_46 : memref<!tpu.dma_semaphore, #tpu.memory_space<semaphore_mem>>) src(%dma_wait3A_56 : memref<80x128xf32, #tpu.memory_space<vmem_shared>>) dst(%dma_wait3A_54 : memref<80x128xf32, #tpu.memory_space<hbm>>)
        tpu.yield
      }) : () -> ()
    }
    %scan3A_35 = arith.constant 8 : i32
    return
  }
}

#map = affine_map<(d0, d1) -> (0, 0)>
#map1 = affine_map<(d0, d1) -> (0, 0, 0)>
module attributes {stable_mosaic.version = 14 : i64} {
  func.func @_scat_body(%arg0: i32, %arg1: i32, %arg2: memref<10000x128xf32, #tpu.memory_space<hbm>>, %arg3: memref<32x1x10000xi32, #tpu.memory_space<hbm>>, %arg4: memref<32x1x10000xi32, #tpu.memory_space<hbm>>, %arg5: memref<80x128xf32, #tpu.memory_space<hbm>>, %arg6: memref<2x10240x128xf32, #tpu.memory_space<hbm>>, %arg7: memref<10000xi32, #tpu.memory_space<vmem>>, %arg8: memref<10000xi32, #tpu.memory_space<vmem>>, %arg9: memref<2x112x128xf32, #tpu.memory_space<vmem>>, %arg10: memref<10240x128xf32, #tpu.memory_space<vmem_shared>>, %arg11: memref<!tpu.dma_semaphore, #tpu.memory_space<semaphore_mem>>, %arg12: memref<!tpu.dma_semaphore, #tpu.memory_space<semaphore_mem>>, %arg13: memref<!tpu.dma_semaphore, #tpu.memory_space<semaphore_mem>>, %arg14: memref<!tpu.dma_semaphore, #tpu.memory_space<semaphore_mem>>) attributes {dimension_semantics = [#tpu.dimension_semantics<core_parallel>, #tpu.dimension_semantics<subcore_parallel>], iteration_bounds = array<i64: 2, 16>, scalar_prefetch = 0 : i64, scratch_operands = 8 : i64, tpu.core_type = #tpu.core_type<sc_vector_subcore>, window_params = [{transform_indices = #map}, {transform_indices = #map1}, {transform_indices = #map1}, {transform_indices = #map}, {transform_indices = #map1}]} {
    %mul3A = arith.constant 16 : i32
    %mul3A_0 = arith.muli %arg0, %mul3A : i32
    %add3A = arith.addi %mul3A_0, %arg1 : i32
    %scan3A = arith.constant 0 : i32
    %scan3A_1 = arith.constant 8 : i32
    %scan3A_2 = arith.addi %scan3A, %scan3A_1 : i32
    %scan3A_3 = arith.constant 1 : i32
    scf.for %scan3A_36 = %scan3A to %scan3A_2 step %scan3A_3  : i32 {
      %mul3A_37 = arith.constant 1 : i32
      %mul3A_38 = arith.muli %scan3A_36, %mul3A_37 : i32
      %add3A_39 = arith.constant 0 : i32
      %add3A_40 = arith.addi %add3A_39, %mul3A_38 : i32
      %mul3A_41 = arith.constant 640 : i32
      %mul3A_42 = arith.muli %arg1, %mul3A_41 : i32
      %mul3A_43 = arith.constant 80 : i32
      %mul3A_44 = arith.muli %add3A_40, %mul3A_43 : i32
      %add3A_45 = arith.addi %mul3A_42, %mul3A_44 : i32
      "tpu.region"() ({
        %run_scoped3A_46 = tpu.sem_alloc : memref<!tpu.dma_semaphore, #tpu.memory_space<semaphore_mem>>
        %dma_start3A_47 = arith.constant 0 : i32
        %dma_start3A_48 = tpu.memref_slice %arg10[%add3A_45, %dma_start3A_47] : memref<10240x128xf32, #tpu.memory_space<vmem_shared>> -> memref<80x128xf32, #tpu.memory_space<vmem_shared>>
        tpu.enqueue_dma source(%arg5 : memref<80x128xf32, #tpu.memory_space<hbm>>) target(%dma_start3A_48 : memref<80x128xf32, #tpu.memory_space<vmem_shared>>) target_semaphore(%run_scoped3A_46 : memref<!tpu.dma_semaphore, #tpu.memory_space<semaphore_mem>>)
        %dma_wait3A_49 = arith.constant 0 : i32
        %dma_wait3A_50 = tpu.memref_slice %arg10[%add3A_45, %dma_wait3A_49] : memref<10240x128xf32, #tpu.memory_space<vmem_shared>> -> memref<80x128xf32, #tpu.memory_space<vmem_shared>>
        tpu.wait_dma2 semaphore(%run_scoped3A_46 : memref<!tpu.dma_semaphore, #tpu.memory_space<semaphore_mem>>) src(%arg5 : memref<80x128xf32, #tpu.memory_space<hbm>>) dst(%dma_wait3A_50 : memref<80x128xf32, #tpu.memory_space<vmem_shared>>)
        tpu.yield
      }) : () -> ()
    }
    %scan3A_4 = arith.constant 8 : i32
    %run_scoped3A = arith.constant 0 : i32
    "tpu.region"() ({
      %run_scoped3A_36 = tpu.sem_alloc : memref<!tpu.dma_semaphore, #tpu.memory_space<semaphore_mem>>
      %dma_start3A_37 = arith.constant 0 : i32
      %dma_start3A_38 = tpu.memref_slice %arg3[%add3A, %run_scoped3A, %dma_start3A_37] : memref<32x1x10000xi32, #tpu.memory_space<hbm>> -> memref<1x1x10000xi32, #tpu.memory_space<hbm>>
      %dma_start3A_39 = tpu.memref_squeeze %dma_start3A_38 : memref<1x1x10000xi32, #tpu.memory_space<hbm>> -> memref<10000xi32, #tpu.memory_space<hbm>>
      %dma_start3A_40 = arith.constant 0 : i32
      %dma_start3A_41 = tpu.memref_slice %arg3[%add3A, %run_scoped3A, %dma_start3A_40] : memref<32x1x10000xi32, #tpu.memory_space<hbm>> -> memref<1x1x10000xi32, #tpu.memory_space<hbm>>
      %dma_start3A_42 = tpu.memref_squeeze %dma_start3A_41 : memref<1x1x10000xi32, #tpu.memory_space<hbm>> -> memref<10000xi32, #tpu.memory_space<hbm>>
      tpu.enqueue_dma source(%dma_start3A_42 : memref<10000xi32, #tpu.memory_space<hbm>>) target(%arg7 : memref<10000xi32, #tpu.memory_space<vmem>>) target_semaphore(%run_scoped3A_36 : memref<!tpu.dma_semaphore, #tpu.memory_space<semaphore_mem>>)
      %dma_wait3A_43 = arith.constant 0 : i32
      %dma_wait3A_44 = tpu.memref_slice %arg3[%add3A, %run_scoped3A, %dma_wait3A_43] : memref<32x1x10000xi32, #tpu.memory_space<hbm>> -> memref<1x1x10000xi32, #tpu.memory_space<hbm>>
      %dma_wait3A_45 = tpu.memref_squeeze %dma_wait3A_44 : memref<1x1x10000xi32, #tpu.memory_space<hbm>> -> memref<10000xi32, #tpu.memory_space<hbm>>
      %dma_wait3A_46 = arith.constant 0 : i32
      %dma_wait3A_47 = tpu.memref_slice %arg3[%add3A, %run_scoped3A, %dma_wait3A_46] : memref<32x1x10000xi32, #tpu.memory_space<hbm>> -> memref<1x1x10000xi32, #tpu.memory_space<hbm>>
      %dma_wait3A_48 = tpu.memref_squeeze %dma_wait3A_47 : memref<1x1x10000xi32, #tpu.memory_space<hbm>> -> memref<10000xi32, #tpu.memory_space<hbm>>
      tpu.wait_dma2 semaphore(%run_scoped3A_36 : memref<!tpu.dma_semaphore, #tpu.memory_space<semaphore_mem>>) src(%dma_wait3A_48 : memref<10000xi32, #tpu.memory_space<hbm>>) dst(%arg7 : memref<10000xi32, #tpu.memory_space<vmem>>)
      tpu.yield
    }) : () -> ()
    %run_scoped3A_5 = arith.constant 0 : i32
    "tpu.region"() ({
      %run_scoped3A_36 = tpu.sem_alloc : memref<!tpu.dma_semaphore, #tpu.memory_space<semaphore_mem>>
      %dma_start3A_37 = arith.constant 0 : i32
      %dma_start3A_38 = tpu.memref_slice %arg4[%add3A, %run_scoped3A_5, %dma_start3A_37] : memref<32x1x10000xi32, #tpu.memory_space<hbm>> -> memref<1x1x10000xi32, #tpu.memory_space<hbm>>
      %dma_start3A_39 = tpu.memref_squeeze %dma_start3A_38 : memref<1x1x10000xi32, #tpu.memory_space<hbm>> -> memref<10000xi32, #tpu.memory_space<hbm>>
      %dma_start3A_40 = arith.constant 0 : i32
      %dma_start3A_41 = tpu.memref_slice %arg4[%add3A, %run_scoped3A_5, %dma_start3A_40] : memref<32x1x10000xi32, #tpu.memory_space<hbm>> -> memref<1x1x10000xi32, #tpu.memory_space<hbm>>
      %dma_start3A_42 = tpu.memref_squeeze %dma_start3A_41 : memref<1x1x10000xi32, #tpu.memory_space<hbm>> -> memref<10000xi32, #tpu.memory_space<hbm>>
      tpu.enqueue_dma source(%dma_start3A_42 : memref<10000xi32, #tpu.memory_space<hbm>>) target(%arg8 : memref<10000xi32, #tpu.memory_space<vmem>>) target_semaphore(%run_scoped3A_36 : memref<!tpu.dma_semaphore, #tpu.memory_space<semaphore_mem>>)
      %dma_wait3A_43 = arith.constant 0 : i32
      %dma_wait3A_44 = tpu.memref_slice %arg4[%add3A, %run_scoped3A_5, %dma_wait3A_43] : memref<32x1x10000xi32, #tpu.memory_space<hbm>> -> memref<1x1x10000xi32, #tpu.memory_space<hbm>>
      %dma_wait3A_45 = tpu.memref_squeeze %dma_wait3A_44 : memref<1x1x10000xi32, #tpu.memory_space<hbm>> -> memref<10000xi32, #tpu.memory_space<hbm>>
      %dma_wait3A_46 = arith.constant 0 : i32
      %dma_wait3A_47 = tpu.memref_slice %arg4[%add3A, %run_scoped3A_5, %dma_wait3A_46] : memref<32x1x10000xi32, #tpu.memory_space<hbm>> -> memref<1x1x10000xi32, #tpu.memory_space<hbm>>
      %dma_wait3A_48 = tpu.memref_squeeze %dma_wait3A_47 : memref<1x1x10000xi32, #tpu.memory_space<hbm>> -> memref<10000xi32, #tpu.memory_space<hbm>>
      tpu.wait_dma2 semaphore(%run_scoped3A_36 : memref<!tpu.dma_semaphore, #tpu.memory_space<semaphore_mem>>) src(%dma_wait3A_48 : memref<10000xi32, #tpu.memory_space<hbm>>) dst(%arg8 : memref<10000xi32, #tpu.memory_space<vmem>>)
      tpu.yield
    }) : () -> ()
    %barrier3A = arith.constant 0 : index
    tpu.barrier barrier_id(%barrier3A)
    %scan3A_6 = arith.constant 0 : i32
    %scan3A_7 = arith.constant 89 : i32
    %scan3A_8 = arith.addi %scan3A_6, %scan3A_7 : i32
    %scan3A_9 = arith.constant 1 : i32
    scf.for %scan3A_36 = %scan3A_6 to %scan3A_8 step %scan3A_9  : i32 {
      %mul3A_37 = arith.constant 1 : i32
      %mul3A_38 = arith.muli %scan3A_36, %mul3A_37 : i32
      %add3A_39 = arith.constant 0 : i32
      %add3A_40 = arith.addi %add3A_39, %mul3A_38 : i32
      %mul3A_41 = arith.constant 112 : i32
      %mul3A_42 = arith.muli %add3A_40, %mul3A_41 : i32
      %dma_start3A_43 = arith.constant 0 : i32
      %dma_start3A_44 = arith.constant 0 : i32
      %dma_start3A_45 = arith.constant 0 : i32
      %dma_start3A_46 = tpu.memref_slice %arg9[%dma_start3A_43, %dma_start3A_44, %dma_start3A_45] : memref<2x112x128xf32, #tpu.memory_space<vmem>> -> memref<1x112x128xf32, #tpu.memory_space<vmem>>
      %dma_start3A_47 = tpu.memref_squeeze %dma_start3A_46 : memref<1x112x128xf32, #tpu.memory_space<vmem>> -> memref<112x128xf32, #tpu.memory_space<vmem>>
      %dma_start3A_48 = tpu.memref_slice %arg7[%mul3A_42] : memref<10000xi32, #tpu.memory_space<vmem>> -> memref<112xi32, #tpu.memory_space<vmem>>
      %dma_start3A_49 = arith.constant 0 : i32
      %dma_start3A_50 = arith.constant 0 : i32
      %dma_start3A_51 = tpu.memref_slice %arg2[%dma_start3A_49, %dma_start3A_50] : memref<10000x128xf32, #tpu.memory_space<hbm>> -> memref<10000x128xf32, #tpu.memory_space<hbm>>
      tpu.enqueue_indirect_dma source(%dma_start3A_51 : memref<10000x128xf32, #tpu.memory_space<hbm>>) target(%dma_start3A_47 : memref<112x128xf32, #tpu.memory_space<vmem>>) offsets(%dma_start3A_48 : memref<112xi32, #tpu.memory_space<vmem>>) semaphore(%arg11 : memref<!tpu.dma_semaphore, #tpu.memory_space<semaphore_mem>>)
      %dma_wait3A_52 = arith.constant 0 : i32
      %dma_wait3A_53 = arith.constant 0 : i32
      %dma_wait3A_54 = arith.constant 0 : i32
      %dma_wait3A_55 = tpu.memref_slice %arg9[%dma_wait3A_52, %dma_wait3A_53, %dma_wait3A_54] : memref<2x112x128xf32, #tpu.memory_space<vmem>> -> memref<1x112x128xf32, #tpu.memory_space<vmem>>
      %dma_wait3A_56 = tpu.memref_squeeze %dma_wait3A_55 : memref<1x112x128xf32, #tpu.memory_space<vmem>> -> memref<112x128xf32, #tpu.memory_space<vmem>>
      %dma_wait3A_57 = arith.constant 0 : i32
      %dma_wait3A_58 = tpu.memref_slice %arg7[%dma_wait3A_57] : memref<10000xi32, #tpu.memory_space<vmem>> -> memref<112xi32, #tpu.memory_space<vmem>>
      %dma_wait3A_59 = arith.constant 0 : i32
      %dma_wait3A_60 = arith.constant 0 : i32
      %dma_wait3A_61 = tpu.memref_slice %arg2[%dma_wait3A_59, %dma_wait3A_60] : memref<10000x128xf32, #tpu.memory_space<hbm>> -> memref<10000x128xf32, #tpu.memory_space<hbm>>
      tpu.wait_indirect_dma semaphore(%arg11 : memref<!tpu.dma_semaphore, #tpu.memory_space<semaphore_mem>>) src(%dma_wait3A_61 : memref<10000x128xf32, #tpu.memory_space<hbm>>) dst(%dma_wait3A_56 : memref<112x128xf32, #tpu.memory_space<vmem>>)
      %mul3A_62 = arith.constant 112 : i32
      %mul3A_63 = arith.muli %add3A_40, %mul3A_62 : i32
      %run_scoped3A_64 = arith.constant 0 : i32
      "tpu.region"() ({
        %run_scoped3A_65 = tpu.sem_alloc : memref<!tpu.dma_semaphore, #tpu.memory_space<semaphore_mem>>
        %dma_start3A_66 = arith.constant 0 : i32
        %dma_start3A_67 = arith.constant 0 : i32
        %dma_start3A_68 = tpu.memref_slice %arg9[%run_scoped3A_64, %dma_start3A_66, %dma_start3A_67] : memref<2x112x128xf32, #tpu.memory_space<vmem>> -> memref<1x112x128xf32, #tpu.memory_space<vmem>>
        %dma_start3A_69 = tpu.memref_squeeze %dma_start3A_68 : memref<1x112x128xf32, #tpu.memory_space<vmem>> -> memref<112x128xf32, #tpu.memory_space<vmem>>
        %dma_start3A_70 = tpu.memref_slice %arg8[%mul3A_63] : memref<10000xi32, #tpu.memory_space<vmem>> -> memref<112xi32, #tpu.memory_space<vmem>>
        %dma_start3A_71 = arith.constant 0 : i32
        %dma_start3A_72 = arith.constant 0 : i32
        %dma_start3A_73 = tpu.memref_slice %arg10[%dma_start3A_71, %dma_start3A_72] : memref<10240x128xf32, #tpu.memory_space<vmem_shared>> -> memref<10240x128xf32, #tpu.memory_space<vmem_shared>>
        tpu.enqueue_indirect_dma source(%dma_start3A_69 : memref<112x128xf32, #tpu.memory_space<vmem>>) target(%dma_start3A_73 : memref<10240x128xf32, #tpu.memory_space<vmem_shared>>) offsets(%dma_start3A_70 : memref<112xi32, #tpu.memory_space<vmem>>) semaphore(%run_scoped3A_65 : memref<!tpu.dma_semaphore, #tpu.memory_space<semaphore_mem>>) {add = true}
        %dma_wait3A_74 = arith.constant 0 : i32
        %dma_wait3A_75 = arith.constant 0 : i32
        %dma_wait3A_76 = tpu.memref_slice %arg9[%run_scoped3A_64, %dma_wait3A_74, %dma_wait3A_75] : memref<2x112x128xf32, #tpu.memory_space<vmem>> -> memref<1x112x128xf32, #tpu.memory_space<vmem>>
        %dma_wait3A_77 = tpu.memref_squeeze %dma_wait3A_76 : memref<1x112x128xf32, #tpu.memory_space<vmem>> -> memref<112x128xf32, #tpu.memory_space<vmem>>
        %dma_wait3A_78 = tpu.memref_slice %arg8[%mul3A_63] : memref<10000xi32, #tpu.memory_space<vmem>> -> memref<112xi32, #tpu.memory_space<vmem>>
        %dma_wait3A_79 = arith.constant 0 : i32
        %dma_wait3A_80 = arith.constant 0 : i32
        %dma_wait3A_81 = tpu.memref_slice %arg10[%dma_wait3A_79, %dma_wait3A_80] : memref<10240x128xf32, #tpu.memory_space<vmem_shared>> -> memref<10240x128xf32, #tpu.memory_space<vmem_shared>>
        tpu.wait_indirect_dma semaphore(%run_scoped3A_65 : memref<!tpu.dma_semaphore, #tpu.memory_space<semaphore_mem>>) src(%dma_wait3A_77 : memref<112x128xf32, #tpu.memory_space<vmem>>) dst(%dma_wait3A_81 : memref<10240x128xf32, #tpu.memory_space<vmem_shared>>)
        tpu.yield
      }) : () -> ()
    }
    %scan3A_10 = arith.constant 89 : i32
    %dma_start3A = arith.constant 1 : i32
    %dma_start3A_11 = arith.constant 0 : i32
    %dma_start3A_12 = arith.constant 0 : i32
    %dma_start3A_13 = tpu.memref_slice %arg9[%dma_start3A, %dma_start3A_11, %dma_start3A_12] : memref<2x112x128xf32, #tpu.memory_space<vmem>> -> memref<1x32x128xf32, #tpu.memory_space<vmem>>
    %dma_start3A_14 = tpu.memref_squeeze %dma_start3A_13 : memref<1x32x128xf32, #tpu.memory_space<vmem>> -> memref<32x128xf32, #tpu.memory_space<vmem>>
    %dma_start3A_15 = arith.constant 9968 : i32
    %dma_start3A_16 = tpu.memref_slice %arg7[%dma_start3A_15] : memref<10000xi32, #tpu.memory_space<vmem>> -> memref<32xi32, #tpu.memory_space<vmem>>
    %dma_start3A_17 = arith.constant 0 : i32
    %dma_start3A_18 = arith.constant 0 : i32
    %dma_start3A_19 = tpu.memref_slice %arg2[%dma_start3A_17, %dma_start3A_18] : memref<10000x128xf32, #tpu.memory_space<hbm>> -> memref<10000x128xf32, #tpu.memory_space<hbm>>
    tpu.enqueue_indirect_dma source(%dma_start3A_19 : memref<10000x128xf32, #tpu.memory_space<hbm>>) target(%dma_start3A_14 : memref<32x128xf32, #tpu.memory_space<vmem>>) offsets(%dma_start3A_16 : memref<32xi32, #tpu.memory_space<vmem>>) semaphore(%arg12 : memref<!tpu.dma_semaphore, #tpu.memory_space<semaphore_mem>>)
    %dma_wait3A = arith.constant 1 : i32
    %dma_wait3A_20 = arith.constant 0 : i32
    %dma_wait3A_21 = arith.constant 0 : i32
    %dma_wait3A_22 = tpu.memref_slice %arg9[%dma_wait3A, %dma_wait3A_20, %dma_wait3A_21] : memref<2x112x128xf32, #tpu.memory_space<vmem>> -> memref<1x32x128xf32, #tpu.memory_space<vmem>>
    %dma_wait3A_23 = tpu.memref_squeeze %dma_wait3A_22 : memref<1x32x128xf32, #tpu.memory_space<vmem>> -> memref<32x128xf32, #tpu.memory_space<vmem>>
    %dma_wait3A_24 = arith.constant 0 : i32
    %dma_wait3A_25 = tpu.memref_slice %arg7[%dma_wait3A_24] : memref<10000xi32, #tpu.memory_space<vmem>> -> memref<32xi32, #tpu.memory_space<vmem>>
    %dma_wait3A_26 = arith.constant 0 : i32
    %dma_wait3A_27 = arith.constant 0 : i32
    %dma_wait3A_28 = tpu.memref_slice %arg2[%dma_wait3A_26, %dma_wait3A_27] : memref<10000x128xf32, #tpu.memory_space<hbm>> -> memref<10000x128xf32, #tpu.memory_space<hbm>>
    tpu.wait_indirect_dma semaphore(%arg12 : memref<!tpu.dma_semaphore, #tpu.memory_space<semaphore_mem>>) src(%dma_wait3A_28 : memref<10000x128xf32, #tpu.memory_space<hbm>>) dst(%dma_wait3A_23 : memref<32x128xf32, #tpu.memory_space<vmem>>)
    %run_scoped3A_29 = arith.constant 1 : i32
    "tpu.region"() ({
      %run_scoped3A_36 = tpu.sem_alloc : memref<!tpu.dma_semaphore, #tpu.memory_space<semaphore_mem>>
      %dma_start3A_37 = arith.constant 0 : i32
      %dma_start3A_38 = arith.constant 0 : i32
      %dma_start3A_39 = tpu.memref_slice %arg9[%run_scoped3A_29, %dma_start3A_37, %dma_start3A_38] : memref<2x112x128xf32, #tpu.memory_space<vmem>> -> memref<1x32x128xf32, #tpu.memory_space<vmem>>
      %dma_start3A_40 = tpu.memref_squeeze %dma_start3A_39 : memref<1x32x128xf32, #tpu.memory_space<vmem>> -> memref<32x128xf32, #tpu.memory_space<vmem>>
      %dma_start3A_41 = arith.constant 9968 : i32
      %dma_start3A_42 = tpu.memref_slice %arg8[%dma_start3A_41] : memref<10000xi32, #tpu.memory_space<vmem>> -> memref<32xi32, #tpu.memory_space<vmem>>
      %dma_start3A_43 = arith.constant 0 : i32
      %dma_start3A_44 = arith.constant 0 : i32
      %dma_start3A_45 = tpu.memref_slice %arg10[%dma_start3A_43, %dma_start3A_44] : memref<10240x128xf32, #tpu.memory_space<vmem_shared>> -> memref<10240x128xf32, #tpu.memory_space<vmem_shared>>
      tpu.enqueue_indirect_dma source(%dma_start3A_40 : memref<32x128xf32, #tpu.memory_space<vmem>>) target(%dma_start3A_45 : memref<10240x128xf32, #tpu.memory_space<vmem_shared>>) offsets(%dma_start3A_42 : memref<32xi32, #tpu.memory_space<vmem>>) semaphore(%run_scoped3A_36 : memref<!tpu.dma_semaphore, #tpu.memory_space<semaphore_mem>>) {add = true}
      %dma_wait3A_46 = arith.constant 0 : i32
      %dma_wait3A_47 = arith.constant 0 : i32
      %dma_wait3A_48 = tpu.memref_slice %arg9[%run_scoped3A_29, %dma_wait3A_46, %dma_wait3A_47] : memref<2x112x128xf32, #tpu.memory_space<vmem>> -> memref<1x32x128xf32, #tpu.memory_space<vmem>>
      %dma_wait3A_49 = tpu.memref_squeeze %dma_wait3A_48 : memref<1x32x128xf32, #tpu.memory_space<vmem>> -> memref<32x128xf32, #tpu.memory_space<vmem>>
      %dma_wait3A_50 = arith.constant 9968 : i32
      %dma_wait3A_51 = tpu.memref_slice %arg8[%dma_wait3A_50] : memref<10000xi32, #tpu.memory_space<vmem>> -> memref<32xi32, #tpu.memory_space<vmem>>
      %dma_wait3A_52 = arith.constant 0 : i32
      %dma_wait3A_53 = arith.constant 0 : i32
      %dma_wait3A_54 = tpu.memref_slice %arg10[%dma_wait3A_52, %dma_wait3A_53] : memref<10240x128xf32, #tpu.memory_space<vmem_shared>> -> memref<10240x128xf32, #tpu.memory_space<vmem_shared>>
      tpu.wait_indirect_dma semaphore(%run_scoped3A_36 : memref<!tpu.dma_semaphore, #tpu.memory_space<semaphore_mem>>) src(%dma_wait3A_49 : memref<32x128xf32, #tpu.memory_space<vmem>>) dst(%dma_wait3A_54 : memref<10240x128xf32, #tpu.memory_space<vmem_shared>>)
      tpu.yield
    }) : () -> ()
    %barrier3A_30 = arith.constant 0 : index
    tpu.barrier barrier_id(%barrier3A_30)
    %scan3A_31 = arith.constant 0 : i32
    %scan3A_32 = arith.constant 8 : i32
    %scan3A_33 = arith.addi %scan3A_31, %scan3A_32 : i32
    %scan3A_34 = arith.constant 1 : i32
    scf.for %scan3A_36 = %scan3A_31 to %scan3A_33 step %scan3A_34  : i32 {
      %mul3A_37 = arith.constant 1 : i32
      %mul3A_38 = arith.muli %scan3A_36, %mul3A_37 : i32
      %add3A_39 = arith.constant 0 : i32
      %add3A_40 = arith.addi %add3A_39, %mul3A_38 : i32
      %mul3A_41 = arith.constant 640 : i32
      %mul3A_42 = arith.muli %arg1, %mul3A_41 : i32
      %mul3A_43 = arith.constant 80 : i32
      %mul3A_44 = arith.muli %add3A_40, %mul3A_43 : i32
      %add3A_45 = arith.addi %mul3A_42, %mul3A_44 : i32
      "tpu.region"() ({
        %run_scoped3A_46 = tpu.sem_alloc : memref<!tpu.dma_semaphore, #tpu.memory_space<semaphore_mem>>
        %dma_start3A_47 = arith.constant 0 : i32
        %dma_start3A_48 = tpu.memref_slice %arg6[%arg0, %add3A_45, %dma_start3A_47] : memref<2x10240x128xf32, #tpu.memory_space<hbm>> -> memref<1x80x128xf32, #tpu.memory_space<hbm>>
        %dma_start3A_49 = tpu.memref_squeeze %dma_start3A_48 : memref<1x80x128xf32, #tpu.memory_space<hbm>> -> memref<80x128xf32, #tpu.memory_space<hbm>>
        %dma_start3A_50 = arith.constant 0 : i32
        %dma_start3A_51 = tpu.memref_slice %arg10[%add3A_45, %dma_start3A_50] : memref<10240x128xf32, #tpu.memory_space<vmem_shared>> -> memref<80x128xf32, #tpu.memory_space<vmem_shared>>
        tpu.enqueue_dma source(%dma_start3A_51 : memref<80x128xf32, #tpu.memory_space<vmem_shared>>) target(%dma_start3A_49 : memref<80x128xf32, #tpu.memory_space<hbm>>) target_semaphore(%run_scoped3A_46 : memref<!tpu.dma_semaphore, #tpu.memory_space<semaphore_mem>>)
        %dma_wait3A_52 = arith.constant 0 : i32
        %dma_wait3A_53 = tpu.memref_slice %arg6[%arg0, %add3A_45, %dma_wait3A_52] : memref<2x10240x128xf32, #tpu.memory_space<hbm>> -> memref<1x80x128xf32, #tpu.memory_space<hbm>>
        %dma_wait3A_54 = tpu.memref_squeeze %dma_wait3A_53 : memref<1x80x128xf32, #tpu.memory_space<hbm>> -> memref<80x128xf32, #tpu.memory_space<hbm>>
        %dma_wait3A_55 = arith.constant 0 : i32
        %dma_wait3A_56 = tpu.memref_slice %arg10[%add3A_45, %dma_wait3A_55] : memref<10240x128xf32, #tpu.memory_space<vmem_shared>> -> memref<80x128xf32, #tpu.memory_space<vmem_shared>>
        tpu.wait_dma2 semaphore(%run_scoped3A_46 : memref<!tpu.dma_semaphore, #tpu.memory_space<semaphore_mem>>) src(%dma_wait3A_56 : memref<80x128xf32, #tpu.memory_space<vmem_shared>>) dst(%dma_wait3A_54 : memref<80x128xf32, #tpu.memory_space<hbm>>)
        tpu.yield
      }) : () -> ()
    }
    %scan3A_35 = arith.constant 8 : i32
    return
  }
}

#map = affine_map<(d0, d1) -> (0, 0)>
#map1 = affine_map<(d0, d1) -> (0, 0, 0)>
module attributes {stable_mosaic.version = 14 : i64} {
  func.func @_scat_body(%arg0: i32, %arg1: i32, %arg2: memref<10000x128xf32, #tpu.memory_space<hbm>>, %arg3: memref<32x1x10000xi32, #tpu.memory_space<hbm>>, %arg4: memref<32x1x10000xi32, #tpu.memory_space<hbm>>, %arg5: memref<80x128xf32, #tpu.memory_space<hbm>>, %arg6: memref<2x10240x128xf32, #tpu.memory_space<hbm>>, %arg7: memref<10000xi32, #tpu.memory_space<vmem>>, %arg8: memref<10000xi32, #tpu.memory_space<vmem>>, %arg9: memref<2x112x128xf32, #tpu.memory_space<vmem>>, %arg10: memref<10240x128xf32, #tpu.memory_space<vmem_shared>>, %arg11: memref<!tpu.dma_semaphore, #tpu.memory_space<semaphore_mem>>, %arg12: memref<!tpu.dma_semaphore, #tpu.memory_space<semaphore_mem>>, %arg13: memref<!tpu.dma_semaphore, #tpu.memory_space<semaphore_mem>>, %arg14: memref<!tpu.dma_semaphore, #tpu.memory_space<semaphore_mem>>) attributes {dimension_semantics = [#tpu.dimension_semantics<core_parallel>, #tpu.dimension_semantics<subcore_parallel>], iteration_bounds = array<i64: 2, 16>, scalar_prefetch = 0 : i64, scratch_operands = 8 : i64, tpu.core_type = #tpu.core_type<sc_vector_subcore>, window_params = [{transform_indices = #map}, {transform_indices = #map1}, {transform_indices = #map1}, {transform_indices = #map}, {transform_indices = #map1}]} {
    %mul3A = arith.constant 16 : i32
    %mul3A_0 = arith.muli %arg0, %mul3A : i32
    %add3A = arith.addi %mul3A_0, %arg1 : i32
    %scan3A = arith.constant 0 : i32
    %scan3A_1 = arith.constant 8 : i32
    %scan3A_2 = arith.addi %scan3A, %scan3A_1 : i32
    %scan3A_3 = arith.constant 1 : i32
    scf.for %scan3A_36 = %scan3A to %scan3A_2 step %scan3A_3  : i32 {
      %mul3A_37 = arith.constant 1 : i32
      %mul3A_38 = arith.muli %scan3A_36, %mul3A_37 : i32
      %add3A_39 = arith.constant 0 : i32
      %add3A_40 = arith.addi %add3A_39, %mul3A_38 : i32
      %mul3A_41 = arith.constant 640 : i32
      %mul3A_42 = arith.muli %arg1, %mul3A_41 : i32
      %mul3A_43 = arith.constant 80 : i32
      %mul3A_44 = arith.muli %add3A_40, %mul3A_43 : i32
      %add3A_45 = arith.addi %mul3A_42, %mul3A_44 : i32
      "tpu.region"() ({
        %run_scoped3A_46 = tpu.sem_alloc : memref<!tpu.dma_semaphore, #tpu.memory_space<semaphore_mem>>
        %dma_start3A_47 = arith.constant 0 : i32
        %dma_start3A_48 = tpu.memref_slice %arg10[%add3A_45, %dma_start3A_47] : memref<10240x128xf32, #tpu.memory_space<vmem_shared>> -> memref<80x128xf32, #tpu.memory_space<vmem_shared>>
        tpu.enqueue_dma source(%arg5 : memref<80x128xf32, #tpu.memory_space<hbm>>) target(%dma_start3A_48 : memref<80x128xf32, #tpu.memory_space<vmem_shared>>) target_semaphore(%run_scoped3A_46 : memref<!tpu.dma_semaphore, #tpu.memory_space<semaphore_mem>>)
        %dma_wait3A_49 = arith.constant 0 : i32
        %dma_wait3A_50 = tpu.memref_slice %arg10[%add3A_45, %dma_wait3A_49] : memref<10240x128xf32, #tpu.memory_space<vmem_shared>> -> memref<80x128xf32, #tpu.memory_space<vmem_shared>>
        tpu.wait_dma2 semaphore(%run_scoped3A_46 : memref<!tpu.dma_semaphore, #tpu.memory_space<semaphore_mem>>) src(%arg5 : memref<80x128xf32, #tpu.memory_space<hbm>>) dst(%dma_wait3A_50 : memref<80x128xf32, #tpu.memory_space<vmem_shared>>)
        tpu.yield
      }) : () -> ()
    }
    %scan3A_4 = arith.constant 8 : i32
    %run_scoped3A = arith.constant 0 : i32
    "tpu.region"() ({
      %run_scoped3A_36 = tpu.sem_alloc : memref<!tpu.dma_semaphore, #tpu.memory_space<semaphore_mem>>
      %dma_start3A_37 = arith.constant 0 : i32
      %dma_start3A_38 = tpu.memref_slice %arg3[%add3A, %run_scoped3A, %dma_start3A_37] : memref<32x1x10000xi32, #tpu.memory_space<hbm>> -> memref<1x1x10000xi32, #tpu.memory_space<hbm>>
      %dma_start3A_39 = tpu.memref_squeeze %dma_start3A_38 : memref<1x1x10000xi32, #tpu.memory_space<hbm>> -> memref<10000xi32, #tpu.memory_space<hbm>>
      %dma_start3A_40 = arith.constant 0 : i32
      %dma_start3A_41 = tpu.memref_slice %arg3[%add3A, %run_scoped3A, %dma_start3A_40] : memref<32x1x10000xi32, #tpu.memory_space<hbm>> -> memref<1x1x10000xi32, #tpu.memory_space<hbm>>
      %dma_start3A_42 = tpu.memref_squeeze %dma_start3A_41 : memref<1x1x10000xi32, #tpu.memory_space<hbm>> -> memref<10000xi32, #tpu.memory_space<hbm>>
      tpu.enqueue_dma source(%dma_start3A_42 : memref<10000xi32, #tpu.memory_space<hbm>>) target(%arg7 : memref<10000xi32, #tpu.memory_space<vmem>>) target_semaphore(%run_scoped3A_36 : memref<!tpu.dma_semaphore, #tpu.memory_space<semaphore_mem>>)
      %dma_wait3A_43 = arith.constant 0 : i32
      %dma_wait3A_44 = tpu.memref_slice %arg3[%add3A, %run_scoped3A, %dma_wait3A_43] : memref<32x1x10000xi32, #tpu.memory_space<hbm>> -> memref<1x1x10000xi32, #tpu.memory_space<hbm>>
      %dma_wait3A_45 = tpu.memref_squeeze %dma_wait3A_44 : memref<1x1x10000xi32, #tpu.memory_space<hbm>> -> memref<10000xi32, #tpu.memory_space<hbm>>
      %dma_wait3A_46 = arith.constant 0 : i32
      %dma_wait3A_47 = tpu.memref_slice %arg3[%add3A, %run_scoped3A, %dma_wait3A_46] : memref<32x1x10000xi32, #tpu.memory_space<hbm>> -> memref<1x1x10000xi32, #tpu.memory_space<hbm>>
      %dma_wait3A_48 = tpu.memref_squeeze %dma_wait3A_47 : memref<1x1x10000xi32, #tpu.memory_space<hbm>> -> memref<10000xi32, #tpu.memory_space<hbm>>
      tpu.wait_dma2 semaphore(%run_scoped3A_36 : memref<!tpu.dma_semaphore, #tpu.memory_space<semaphore_mem>>) src(%dma_wait3A_48 : memref<10000xi32, #tpu.memory_space<hbm>>) dst(%arg7 : memref<10000xi32, #tpu.memory_space<vmem>>)
      tpu.yield
    }) : () -> ()
    %run_scoped3A_5 = arith.constant 0 : i32
    "tpu.region"() ({
      %run_scoped3A_36 = tpu.sem_alloc : memref<!tpu.dma_semaphore, #tpu.memory_space<semaphore_mem>>
      %dma_start3A_37 = arith.constant 0 : i32
      %dma_start3A_38 = tpu.memref_slice %arg4[%add3A, %run_scoped3A_5, %dma_start3A_37] : memref<32x1x10000xi32, #tpu.memory_space<hbm>> -> memref<1x1x10000xi32, #tpu.memory_space<hbm>>
      %dma_start3A_39 = tpu.memref_squeeze %dma_start3A_38 : memref<1x1x10000xi32, #tpu.memory_space<hbm>> -> memref<10000xi32, #tpu.memory_space<hbm>>
      %dma_start3A_40 = arith.constant 0 : i32
      %dma_start3A_41 = tpu.memref_slice %arg4[%add3A, %run_scoped3A_5, %dma_start3A_40] : memref<32x1x10000xi32, #tpu.memory_space<hbm>> -> memref<1x1x10000xi32, #tpu.memory_space<hbm>>
      %dma_start3A_42 = tpu.memref_squeeze %dma_start3A_41 : memref<1x1x10000xi32, #tpu.memory_space<hbm>> -> memref<10000xi32, #tpu.memory_space<hbm>>
      tpu.enqueue_dma source(%dma_start3A_42 : memref<10000xi32, #tpu.memory_space<hbm>>) target(%arg8 : memref<10000xi32, #tpu.memory_space<vmem>>) target_semaphore(%run_scoped3A_36 : memref<!tpu.dma_semaphore, #tpu.memory_space<semaphore_mem>>)
      %dma_wait3A_43 = arith.constant 0 : i32
      %dma_wait3A_44 = tpu.memref_slice %arg4[%add3A, %run_scoped3A_5, %dma_wait3A_43] : memref<32x1x10000xi32, #tpu.memory_space<hbm>> -> memref<1x1x10000xi32, #tpu.memory_space<hbm>>
      %dma_wait3A_45 = tpu.memref_squeeze %dma_wait3A_44 : memref<1x1x10000xi32, #tpu.memory_space<hbm>> -> memref<10000xi32, #tpu.memory_space<hbm>>
      %dma_wait3A_46 = arith.constant 0 : i32
      %dma_wait3A_47 = tpu.memref_slice %arg4[%add3A, %run_scoped3A_5, %dma_wait3A_46] : memref<32x1x10000xi32, #tpu.memory_space<hbm>> -> memref<1x1x10000xi32, #tpu.memory_space<hbm>>
      %dma_wait3A_48 = tpu.memref_squeeze %dma_wait3A_47 : memref<1x1x10000xi32, #tpu.memory_space<hbm>> -> memref<10000xi32, #tpu.memory_space<hbm>>
      tpu.wait_dma2 semaphore(%run_scoped3A_36 : memref<!tpu.dma_semaphore, #tpu.memory_space<semaphore_mem>>) src(%dma_wait3A_48 : memref<10000xi32, #tpu.memory_space<hbm>>) dst(%arg8 : memref<10000xi32, #tpu.memory_space<vmem>>)
      tpu.yield
    }) : () -> ()
    %barrier3A = arith.constant 0 : index
    tpu.barrier barrier_id(%barrier3A)
    %scan3A_6 = arith.constant 0 : i32
    %scan3A_7 = arith.constant 89 : i32
    %scan3A_8 = arith.addi %scan3A_6, %scan3A_7 : i32
    %scan3A_9 = arith.constant 1 : i32
    scf.for %scan3A_36 = %scan3A_6 to %scan3A_8 step %scan3A_9  : i32 {
      %mul3A_37 = arith.constant 1 : i32
      %mul3A_38 = arith.muli %scan3A_36, %mul3A_37 : i32
      %add3A_39 = arith.constant 0 : i32
      %add3A_40 = arith.addi %add3A_39, %mul3A_38 : i32
      %mul3A_41 = arith.constant 112 : i32
      %mul3A_42 = arith.muli %add3A_40, %mul3A_41 : i32
      %dma_start3A_43 = arith.constant 0 : i32
      %dma_start3A_44 = arith.constant 0 : i32
      %dma_start3A_45 = arith.constant 0 : i32
      %dma_start3A_46 = tpu.memref_slice %arg9[%dma_start3A_43, %dma_start3A_44, %dma_start3A_45] : memref<2x112x128xf32, #tpu.memory_space<vmem>> -> memref<1x112x128xf32, #tpu.memory_space<vmem>>
      %dma_start3A_47 = tpu.memref_squeeze %dma_start3A_46 : memref<1x112x128xf32, #tpu.memory_space<vmem>> -> memref<112x128xf32, #tpu.memory_space<vmem>>
      %dma_start3A_48 = tpu.memref_slice %arg7[%mul3A_42] : memref<10000xi32, #tpu.memory_space<vmem>> -> memref<112xi32, #tpu.memory_space<vmem>>
      %dma_start3A_49 = arith.constant 0 : i32
      %dma_start3A_50 = arith.constant 0 : i32
      %dma_start3A_51 = tpu.memref_slice %arg2[%dma_start3A_49, %dma_start3A_50] : memref<10000x128xf32, #tpu.memory_space<hbm>> -> memref<10000x128xf32, #tpu.memory_space<hbm>>
      tpu.enqueue_indirect_dma source(%dma_start3A_51 : memref<10000x128xf32, #tpu.memory_space<hbm>>) target(%dma_start3A_47 : memref<112x128xf32, #tpu.memory_space<vmem>>) offsets(%dma_start3A_48 : memref<112xi32, #tpu.memory_space<vmem>>) semaphore(%arg11 : memref<!tpu.dma_semaphore, #tpu.memory_space<semaphore_mem>>)
      %dma_wait3A_52 = arith.constant 0 : i32
      %dma_wait3A_53 = arith.constant 0 : i32
      %dma_wait3A_54 = arith.constant 0 : i32
      %dma_wait3A_55 = tpu.memref_slice %arg9[%dma_wait3A_52, %dma_wait3A_53, %dma_wait3A_54] : memref<2x112x128xf32, #tpu.memory_space<vmem>> -> memref<1x112x128xf32, #tpu.memory_space<vmem>>
      %dma_wait3A_56 = tpu.memref_squeeze %dma_wait3A_55 : memref<1x112x128xf32, #tpu.memory_space<vmem>> -> memref<112x128xf32, #tpu.memory_space<vmem>>
      %dma_wait3A_57 = arith.constant 0 : i32
      %dma_wait3A_58 = tpu.memref_slice %arg7[%dma_wait3A_57] : memref<10000xi32, #tpu.memory_space<vmem>> -> memref<112xi32, #tpu.memory_space<vmem>>
      %dma_wait3A_59 = arith.constant 0 : i32
      %dma_wait3A_60 = arith.constant 0 : i32
      %dma_wait3A_61 = tpu.memref_slice %arg2[%dma_wait3A_59, %dma_wait3A_60] : memref<10000x128xf32, #tpu.memory_space<hbm>> -> memref<10000x128xf32, #tpu.memory_space<hbm>>
      tpu.wait_indirect_dma semaphore(%arg11 : memref<!tpu.dma_semaphore, #tpu.memory_space<semaphore_mem>>) src(%dma_wait3A_61 : memref<10000x128xf32, #tpu.memory_space<hbm>>) dst(%dma_wait3A_56 : memref<112x128xf32, #tpu.memory_space<vmem>>)
      %mul3A_62 = arith.constant 112 : i32
      %mul3A_63 = arith.muli %add3A_40, %mul3A_62 : i32
      %run_scoped3A_64 = arith.constant 0 : i32
      "tpu.region"() ({
        %run_scoped3A_65 = tpu.sem_alloc : memref<!tpu.dma_semaphore, #tpu.memory_space<semaphore_mem>>
        %dma_start3A_66 = arith.constant 0 : i32
        %dma_start3A_67 = arith.constant 0 : i32
        %dma_start3A_68 = tpu.memref_slice %arg9[%run_scoped3A_64, %dma_start3A_66, %dma_start3A_67] : memref<2x112x128xf32, #tpu.memory_space<vmem>> -> memref<1x112x128xf32, #tpu.memory_space<vmem>>
        %dma_start3A_69 = tpu.memref_squeeze %dma_start3A_68 : memref<1x112x128xf32, #tpu.memory_space<vmem>> -> memref<112x128xf32, #tpu.memory_space<vmem>>
        %dma_start3A_70 = tpu.memref_slice %arg8[%mul3A_63] : memref<10000xi32, #tpu.memory_space<vmem>> -> memref<112xi32, #tpu.memory_space<vmem>>
        %dma_start3A_71 = arith.constant 0 : i32
        %dma_start3A_72 = arith.constant 0 : i32
        %dma_start3A_73 = tpu.memref_slice %arg10[%dma_start3A_71, %dma_start3A_72] : memref<10240x128xf32, #tpu.memory_space<vmem_shared>> -> memref<10240x128xf32, #tpu.memory_space<vmem_shared>>
        tpu.enqueue_indirect_dma source(%dma_start3A_69 : memref<112x128xf32, #tpu.memory_space<vmem>>) target(%dma_start3A_73 : memref<10240x128xf32, #tpu.memory_space<vmem_shared>>) offsets(%dma_start3A_70 : memref<112xi32, #tpu.memory_space<vmem>>) semaphore(%run_scoped3A_65 : memref<!tpu.dma_semaphore, #tpu.memory_space<semaphore_mem>>) {add = true}
        %dma_wait3A_74 = arith.constant 0 : i32
        %dma_wait3A_75 = arith.constant 0 : i32
        %dma_wait3A_76 = tpu.memref_slice %arg9[%run_scoped3A_64, %dma_wait3A_74, %dma_wait3A_75] : memref<2x112x128xf32, #tpu.memory_space<vmem>> -> memref<1x112x128xf32, #tpu.memory_space<vmem>>
        %dma_wait3A_77 = tpu.memref_squeeze %dma_wait3A_76 : memref<1x112x128xf32, #tpu.memory_space<vmem>> -> memref<112x128xf32, #tpu.memory_space<vmem>>
        %dma_wait3A_78 = tpu.memref_slice %arg8[%mul3A_63] : memref<10000xi32, #tpu.memory_space<vmem>> -> memref<112xi32, #tpu.memory_space<vmem>>
        %dma_wait3A_79 = arith.constant 0 : i32
        %dma_wait3A_80 = arith.constant 0 : i32
        %dma_wait3A_81 = tpu.memref_slice %arg10[%dma_wait3A_79, %dma_wait3A_80] : memref<10240x128xf32, #tpu.memory_space<vmem_shared>> -> memref<10240x128xf32, #tpu.memory_space<vmem_shared>>
        tpu.wait_indirect_dma semaphore(%run_scoped3A_65 : memref<!tpu.dma_semaphore, #tpu.memory_space<semaphore_mem>>) src(%dma_wait3A_77 : memref<112x128xf32, #tpu.memory_space<vmem>>) dst(%dma_wait3A_81 : memref<10240x128xf32, #tpu.memory_space<vmem_shared>>)
        tpu.yield
      }) : () -> ()
    }
    %scan3A_10 = arith.constant 89 : i32
    %dma_start3A = arith.constant 1 : i32
    %dma_start3A_11 = arith.constant 0 : i32
    %dma_start3A_12 = arith.constant 0 : i32
    %dma_start3A_13 = tpu.memref_slice %arg9[%dma_start3A, %dma_start3A_11, %dma_start3A_12] : memref<2x112x128xf32, #tpu.memory_space<vmem>> -> memref<1x32x128xf32, #tpu.memory_space<vmem>>
    %dma_start3A_14 = tpu.memref_squeeze %dma_start3A_13 : memref<1x32x128xf32, #tpu.memory_space<vmem>> -> memref<32x128xf32, #tpu.memory_space<vmem>>
    %dma_start3A_15 = arith.constant 9968 : i32
    %dma_start3A_16 = tpu.memref_slice %arg7[%dma_start3A_15] : memref<10000xi32, #tpu.memory_space<vmem>> -> memref<32xi32, #tpu.memory_space<vmem>>
    %dma_start3A_17 = arith.constant 0 : i32
    %dma_start3A_18 = arith.constant 0 : i32
    %dma_start3A_19 = tpu.memref_slice %arg2[%dma_start3A_17, %dma_start3A_18] : memref<10000x128xf32, #tpu.memory_space<hbm>> -> memref<10000x128xf32, #tpu.memory_space<hbm>>
    tpu.enqueue_indirect_dma source(%dma_start3A_19 : memref<10000x128xf32, #tpu.memory_space<hbm>>) target(%dma_start3A_14 : memref<32x128xf32, #tpu.memory_space<vmem>>) offsets(%dma_start3A_16 : memref<32xi32, #tpu.memory_space<vmem>>) semaphore(%arg12 : memref<!tpu.dma_semaphore, #tpu.memory_space<semaphore_mem>>)
    %dma_wait3A = arith.constant 1 : i32
    %dma_wait3A_20 = arith.constant 0 : i32
    %dma_wait3A_21 = arith.constant 0 : i32
    %dma_wait3A_22 = tpu.memref_slice %arg9[%dma_wait3A, %dma_wait3A_20, %dma_wait3A_21] : memref<2x112x128xf32, #tpu.memory_space<vmem>> -> memref<1x32x128xf32, #tpu.memory_space<vmem>>
    %dma_wait3A_23 = tpu.memref_squeeze %dma_wait3A_22 : memref<1x32x128xf32, #tpu.memory_space<vmem>> -> memref<32x128xf32, #tpu.memory_space<vmem>>
    %dma_wait3A_24 = arith.constant 0 : i32
    %dma_wait3A_25 = tpu.memref_slice %arg7[%dma_wait3A_24] : memref<10000xi32, #tpu.memory_space<vmem>> -> memref<32xi32, #tpu.memory_space<vmem>>
    %dma_wait3A_26 = arith.constant 0 : i32
    %dma_wait3A_27 = arith.constant 0 : i32
    %dma_wait3A_28 = tpu.memref_slice %arg2[%dma_wait3A_26, %dma_wait3A_27] : memref<10000x128xf32, #tpu.memory_space<hbm>> -> memref<10000x128xf32, #tpu.memory_space<hbm>>
    tpu.wait_indirect_dma semaphore(%arg12 : memref<!tpu.dma_semaphore, #tpu.memory_space<semaphore_mem>>) src(%dma_wait3A_28 : memref<10000x128xf32, #tpu.memory_space<hbm>>) dst(%dma_wait3A_23 : memref<32x128xf32, #tpu.memory_space<vmem>>)
    %run_scoped3A_29 = arith.constant 1 : i32
    "tpu.region"() ({
      %run_scoped3A_36 = tpu.sem_alloc : memref<!tpu.dma_semaphore, #tpu.memory_space<semaphore_mem>>
      %dma_start3A_37 = arith.constant 0 : i32
      %dma_start3A_38 = arith.constant 0 : i32
      %dma_start3A_39 = tpu.memref_slice %arg9[%run_scoped3A_29, %dma_start3A_37, %dma_start3A_38] : memref<2x112x128xf32, #tpu.memory_space<vmem>> -> memref<1x32x128xf32, #tpu.memory_space<vmem>>
      %dma_start3A_40 = tpu.memref_squeeze %dma_start3A_39 : memref<1x32x128xf32, #tpu.memory_space<vmem>> -> memref<32x128xf32, #tpu.memory_space<vmem>>
      %dma_start3A_41 = arith.constant 9968 : i32
      %dma_start3A_42 = tpu.memref_slice %arg8[%dma_start3A_41] : memref<10000xi32, #tpu.memory_space<vmem>> -> memref<32xi32, #tpu.memory_space<vmem>>
      %dma_start3A_43 = arith.constant 0 : i32
      %dma_start3A_44 = arith.constant 0 : i32
      %dma_start3A_45 = tpu.memref_slice %arg10[%dma_start3A_43, %dma_start3A_44] : memref<10240x128xf32, #tpu.memory_space<vmem_shared>> -> memref<10240x128xf32, #tpu.memory_space<vmem_shared>>
      tpu.enqueue_indirect_dma source(%dma_start3A_40 : memref<32x128xf32, #tpu.memory_space<vmem>>) target(%dma_start3A_45 : memref<10240x128xf32, #tpu.memory_space<vmem_shared>>) offsets(%dma_start3A_42 : memref<32xi32, #tpu.memory_space<vmem>>) semaphore(%run_scoped3A_36 : memref<!tpu.dma_semaphore, #tpu.memory_space<semaphore_mem>>) {add = true}
      %dma_wait3A_46 = arith.constant 0 : i32
      %dma_wait3A_47 = arith.constant 0 : i32
      %dma_wait3A_48 = tpu.memref_slice %arg9[%run_scoped3A_29, %dma_wait3A_46, %dma_wait3A_47] : memref<2x112x128xf32, #tpu.memory_space<vmem>> -> memref<1x32x128xf32, #tpu.memory_space<vmem>>
      %dma_wait3A_49 = tpu.memref_squeeze %dma_wait3A_48 : memref<1x32x128xf32, #tpu.memory_space<vmem>> -> memref<32x128xf32, #tpu.memory_space<vmem>>
      %dma_wait3A_50 = arith.constant 9968 : i32
      %dma_wait3A_51 = tpu.memref_slice %arg8[%dma_wait3A_50] : memref<10000xi32, #tpu.memory_space<vmem>> -> memref<32xi32, #tpu.memory_space<vmem>>
      %dma_wait3A_52 = arith.constant 0 : i32
      %dma_wait3A_53 = arith.constant 0 : i32
      %dma_wait3A_54 = tpu.memref_slice %arg10[%dma_wait3A_52, %dma_wait3A_53] : memref<10240x128xf32, #tpu.memory_space<vmem_shared>> -> memref<10240x128xf32, #tpu.memory_space<vmem_shared>>
      tpu.wait_indirect_dma semaphore(%run_scoped3A_36 : memref<!tpu.dma_semaphore, #tpu.memory_space<semaphore_mem>>) src(%dma_wait3A_49 : memref<32x128xf32, #tpu.memory_space<vmem>>) dst(%dma_wait3A_54 : memref<10240x128xf32, #tpu.memory_space<vmem_shared>>)
      tpu.yield
    }) : () -> ()
    %barrier3A_30 = arith.constant 0 : index
    tpu.barrier barrier_id(%barrier3A_30)
    %scan3A_31 = arith.constant 0 : i32
    %scan3A_32 = arith.constant 8 : i32
    %scan3A_33 = arith.addi %scan3A_31, %scan3A_32 : i32
    %scan3A_34 = arith.constant 1 : i32
    scf.for %scan3A_36 = %scan3A_31 to %scan3A_33 step %scan3A_34  : i32 {
      %mul3A_37 = arith.constant 1 : i32
      %mul3A_38 = arith.muli %scan3A_36, %mul3A_37 : i32
      %add3A_39 = arith.constant 0 : i32
      %add3A_40 = arith.addi %add3A_39, %mul3A_38 : i32
      %mul3A_41 = arith.constant 640 : i32
      %mul3A_42 = arith.muli %arg1, %mul3A_41 : i32
      %mul3A_43 = arith.constant 80 : i32
      %mul3A_44 = arith.muli %add3A_40, %mul3A_43 : i32
      %add3A_45 = arith.addi %mul3A_42, %mul3A_44 : i32
      "tpu.region"() ({
        %run_scoped3A_46 = tpu.sem_alloc : memref<!tpu.dma_semaphore, #tpu.memory_space<semaphore_mem>>
        %dma_start3A_47 = arith.constant 0 : i32
        %dma_start3A_48 = tpu.memref_slice %arg6[%arg0, %add3A_45, %dma_start3A_47] : memref<2x10240x128xf32, #tpu.memory_space<hbm>> -> memref<1x80x128xf32, #tpu.memory_space<hbm>>
        %dma_start3A_49 = tpu.memref_squeeze %dma_start3A_48 : memref<1x80x128xf32, #tpu.memory_space<hbm>> -> memref<80x128xf32, #tpu.memory_space<hbm>>
        %dma_start3A_50 = arith.constant 0 : i32
        %dma_start3A_51 = tpu.memref_slice %arg10[%add3A_45, %dma_start3A_50] : memref<10240x128xf32, #tpu.memory_space<vmem_shared>> -> memref<80x128xf32, #tpu.memory_space<vmem_shared>>
        tpu.enqueue_dma source(%dma_start3A_51 : memref<80x128xf32, #tpu.memory_space<vmem_shared>>) target(%dma_start3A_49 : memref<80x128xf32, #tpu.memory_space<hbm>>) target_semaphore(%run_scoped3A_46 : memref<!tpu.dma_semaphore, #tpu.memory_space<semaphore_mem>>)
        %dma_wait3A_52 = arith.constant 0 : i32
        %dma_wait3A_53 = tpu.memref_slice %arg6[%arg0, %add3A_45, %dma_wait3A_52] : memref<2x10240x128xf32, #tpu.memory_space<hbm>> -> memref<1x80x128xf32, #tpu.memory_space<hbm>>
        %dma_wait3A_54 = tpu.memref_squeeze %dma_wait3A_53 : memref<1x80x128xf32, #tpu.memory_space<hbm>> -> memref<80x128xf32, #tpu.memory_space<hbm>>
        %dma_wait3A_55 = arith.constant 0 : i32
        %dma_wait3A_56 = tpu.memref_slice %arg10[%add3A_45, %dma_wait3A_55] : memref<10240x128xf32, #tpu.memory_space<vmem_shared>> -> memref<80x128xf32, #tpu.memory_space<vmem_shared>>
        tpu.wait_dma2 semaphore(%run_scoped3A_46 : memref<!tpu.dma_semaphore, #tpu.memory_space<semaphore_mem>>) src(%dma_wait3A_56 : memref<80x128xf32, #tpu.memory_space<vmem_shared>>) dst(%dma_wait3A_54 : memref<80x128xf32, #tpu.memory_space<hbm>>)
        tpu.yield
      }) : () -> ()
    }
    %scan3A_35 = arith.constant 8 : i32
    return
  }
}

module attributes {stable_mosaic.version = 14 : i64} {
  func.func @_tc_advance_body(%arg0: i32, %arg1: memref<2x2000x128xf32, #tpu.memory_space<vmem>>, %arg2: memref<2x2000x128xf32, #tpu.memory_space<vmem>>, %arg3: memref<2000x128xf32, #tpu.memory_space<vmem>>, %arg4: memref<1x128xf32, #tpu.memory_space<vmem>>, %arg5: memref<128x128xf32, #tpu.memory_space<vmem>>, %arg6: memref<2000x128xf32, #tpu.memory_space<vmem>>) attributes {dimension_semantics = [#tpu.dimension_semantics<arbitrary>], iteration_bounds = array<i64: 5>, scalar_prefetch = 0 : i64, scratch_operands = 0 : i64, tpu.core_type = #tpu.core_type<tc>, window_params = [{transform_indices = @transform_0, window_bounds = array<i64: 2, 2000, 128>}, {transform_indices = @transform_1, window_bounds = array<i64: 2, 2000, 128>}, {transform_indices = @transform_2, window_bounds = array<i64: 2000, 128>}, {pipeline_mode = #tpu.pipeline_mode<synchronous>, transform_indices = @transform_3, window_bounds = array<i64: 1, 128>}, {pipeline_mode = #tpu.pipeline_mode<synchronous>, transform_indices = @transform_4, window_bounds = array<i64: 128, 128>}, {transform_indices = @transform_5, window_bounds = array<i64: 2000, 128>}]} {
    %get3A = arith.constant 0 : index
    %get3A_0 = arith.constant 0 : index
    %get3A_1 = arith.constant 0 : index
    %get3A_2 = vector.load %arg1[%get3A, %get3A_0, %get3A_1] : memref<2x2000x128xf32, #tpu.memory_space<vmem>>, vector<2x2000x128xf32>
    %slice3A = vector.extract_strided_slice %get3A_2 {offsets = [0, 0, 0], sizes = [1, 2000, 1], strides = [1, 1, 1]} : vector<2x2000x128xf32> to vector<1x2000x1xf32>
    %squeeze3A = vector.shape_cast %slice3A : vector<1x2000x1xf32> to vector<2000xf32>
    %slice3A_3 = vector.extract_strided_slice %get3A_2 {offsets = [1, 0, 0], sizes = [1, 2000, 1], strides = [1, 1, 1]} : vector<2x2000x128xf32> to vector<1x2000x1xf32>
    %squeeze3A_4 = vector.shape_cast %slice3A_3 : vector<1x2000x1xf32> to vector<2000xf32>
    %add3A = arith.addf %squeeze3A, %squeeze3A_4 : vector<2000xf32>
    %add3A_5 = arith.constant 1.000000e+00 : f32
    %add3A_6 = vector.broadcast %add3A_5 : f32 to vector<2000xf32>
    %add3A_7 = arith.addf %add3A, %add3A_6 : vector<2000xf32>
    %rsqrt3A = math.rsqrt %add3A_7 : vector<2000xf32>
    %broadcast_in_dim3A = vector.shape_cast %rsqrt3A : vector<2000xf32> to vector<2000x1xf32>
    %get3A_8 = arith.constant 0 : index
    %get3A_9 = arith.constant 0 : index
    %get3A_10 = arith.constant 0 : index
    %get3A_11 = vector.load %arg2[%get3A_8, %get3A_9, %get3A_10] : memref<2x2000x128xf32, #tpu.memory_space<vmem>>, vector<1x2000x128xf32>
    %get3A_12 = vector.shape_cast %get3A_11 : vector<1x2000x128xf32> to vector<2000x128xf32>
    %get3A_13 = arith.constant 1 : index
    %get3A_14 = arith.constant 0 : index
    %get3A_15 = arith.constant 0 : index
    %get3A_16 = vector.load %arg2[%get3A_13, %get3A_14, %get3A_15] : memref<2x2000x128xf32, #tpu.memory_space<vmem>>, vector<1x2000x128xf32>
    %get3A_17 = vector.shape_cast %get3A_16 : vector<1x2000x128xf32> to vector<2000x128xf32>
    %add3A_18 = arith.addf %get3A_12, %get3A_17 : vector<2000x128xf32>
    %get3A_19 = arith.constant 0 : index
    %get3A_20 = arith.constant 0 : index
    %get3A_21 = vector.load %arg3[%get3A_19, %get3A_20] : memref<2000x128xf32, #tpu.memory_space<vmem>>, vector<2000x128xf32>
    %add3A_22 = arith.addf %add3A_18, %get3A_21 : vector<2000x128xf32>
    %mul3A = vector.broadcast %broadcast_in_dim3A : vector<2000x1xf32> to vector<2000x128xf32>
    %mul3A_23 = arith.mulf %add3A_22, %mul3A : vector<2000x128xf32>
    %get3A_24 = arith.constant 0 : index
    %get3A_25 = arith.constant 0 : index
    %get3A_26 = vector.load %arg4[%get3A_24, %get3A_25] : memref<1x128xf32, #tpu.memory_space<vmem>>, vector<1x128xf32>
    %add3A_27 = vector.broadcast %get3A_26 : vector<1x128xf32> to vector<2000x128xf32>
    %add3A_28 = arith.addf %mul3A_23, %add3A_27 : vector<2000x128xf32>
    %max3A = arith.constant 0.000000e+00 : f32
    %max3A_29 = vector.broadcast %max3A : f32 to vector<2000x128xf32>
    %max3A_30 = arith.maximumf %add3A_28, %max3A_29 : vector<2000x128xf32>
    %get3A_31 = arith.constant 0 : index
    %get3A_32 = arith.constant 0 : index
    %get3A_33 = vector.load %arg5[%get3A_31, %get3A_32] : memref<128x128xf32, #tpu.memory_space<vmem>>, vector<128x128xf32>
    %dot_general3A = arith.constant dense<0.000000e+00> : vector<2000x128xf32>
    %dot_general3A_34 = tpu.matmul %max3A_30, %get3A_33, %dot_general3A {dimension_numbers = #tpu.dot_dimension_numbers<[1], [0], [0], [1], [0, 0, 1, 1], [], []>, transpose_lhs_hint = false} : vector<2000x128xf32>, vector<128x128xf32>, vector<2000x128xf32> -> vector<2000x128xf32>
    %mul3A_35 = vector.broadcast %broadcast_in_dim3A : vector<2000x1xf32> to vector<2000x128xf32>
    %mul3A_36 = arith.mulf %dot_general3A_34, %mul3A_35 : vector<2000x128xf32>
    %swap3A = arith.constant 0 : index
    %swap3A_37 = arith.constant 0 : index
    %swap3A_38 = vector.load %arg6[%swap3A, %swap3A_37] : memref<2000x128xf32, #tpu.memory_space<vmem>>, vector<2000x128xf32>
    tpu.vector_store %arg6[%swap3A, %swap3A_37], %mul3A_36 {strides = array<i32>} : memref<2000x128xf32, #tpu.memory_space<vmem>>, vector<2000x128xf32>,
    return
  }
  func.func @transform_0(%arg0: i32) -> (i32, i32, i32) {
    %c0_i32 = arith.constant 0 : i32
    %c0_i32_0 = arith.constant 0 : i32
    %c0_i32_1 = arith.constant 0 : i32
    return %c0_i32, %arg0, %c0_i32_0 : i32, i32, i32
  }
  func.func @transform_1(%arg0: i32) -> (i32, i32, i32) {
    %c0_i32 = arith.constant 0 : i32
    %c0_i32_0 = arith.constant 0 : i32
    %c0_i32_1 = arith.constant 0 : i32
    return %c0_i32, %arg0, %c0_i32_0 : i32, i32, i32
  }
  func.func @transform_2(%arg0: i32) -> (i32, i32) {
    %c0_i32 = arith.constant 0 : i32
    %c0_i32_0 = arith.constant 0 : i32
    return %arg0, %c0_i32 : i32, i32
  }
  func.func @transform_3(%arg0: i32) -> (i32, i32) {
    %c0_i32 = arith.constant 0 : i32
    %c0_i32_0 = arith.constant 0 : i32
    %c0_i32_1 = arith.constant 0 : i32
    return %c0_i32, %c0_i32_0 : i32, i32
  }
  func.func @transform_4(%arg0: i32) -> (i32, i32) {
    %c0_i32 = arith.constant 0 : i32
    %c0_i32_0 = arith.constant 0 : i32
    %c0_i32_1 = arith.constant 0 : i32
    return %c0_i32, %c0_i32_0 : i32, i32
  }
  func.func @transform_5(%arg0: i32) -> (i32, i32) {
    %c0_i32 = arith.constant 0 : i32
    %c0_i32_0 = arith.constant 0 : i32
    return %arg0, %c0_i32 : i32, i32
  }
}

module attributes {stable_mosaic.version = 14 : i64} {
  func.func @_tc_first_body(%arg0: i32, %arg1: memref<2x2000x128xf32, #tpu.memory_space<vmem>>, %arg2: memref<2000x128xf32, #tpu.memory_space<vmem>>, %arg3: memref<128x128xf32, #tpu.memory_space<vmem>>, %arg4: memref<2000x128xf32, #tpu.memory_space<vmem>>) attributes {dimension_semantics = [#tpu.dimension_semantics<arbitrary>], iteration_bounds = array<i64: 5>, scalar_prefetch = 0 : i64, scratch_operands = 0 : i64, tpu.core_type = #tpu.core_type<tc>, window_params = [{transform_indices = @transform_0, window_bounds = array<i64: 2, 2000, 128>}, {transform_indices = @transform_1, window_bounds = array<i64: 2000, 128>}, {pipeline_mode = #tpu.pipeline_mode<synchronous>, transform_indices = @transform_2, window_bounds = array<i64: 128, 128>}, {transform_indices = @transform_3, window_bounds = array<i64: 2000, 128>}]} {
    %get3A = arith.constant 0 : index
    %get3A_0 = arith.constant 0 : index
    %get3A_1 = arith.constant 0 : index
    %get3A_2 = vector.load %arg1[%get3A, %get3A_0, %get3A_1] : memref<2x2000x128xf32, #tpu.memory_space<vmem>>, vector<2x2000x128xf32>
    %slice3A = vector.extract_strided_slice %get3A_2 {offsets = [0, 0, 0], sizes = [1, 2000, 1], strides = [1, 1, 1]} : vector<2x2000x128xf32> to vector<1x2000x1xf32>
    %squeeze3A = vector.shape_cast %slice3A : vector<1x2000x1xf32> to vector<2000xf32>
    %slice3A_3 = vector.extract_strided_slice %get3A_2 {offsets = [1, 0, 0], sizes = [1, 2000, 1], strides = [1, 1, 1]} : vector<2x2000x128xf32> to vector<1x2000x1xf32>
    %squeeze3A_4 = vector.shape_cast %slice3A_3 : vector<1x2000x1xf32> to vector<2000xf32>
    %add3A = arith.addf %squeeze3A, %squeeze3A_4 : vector<2000xf32>
    %add3A_5 = arith.constant 1.000000e+00 : f32
    %add3A_6 = vector.broadcast %add3A_5 : f32 to vector<2000xf32>
    %add3A_7 = arith.addf %add3A, %add3A_6 : vector<2000xf32>
    %rsqrt3A = math.rsqrt %add3A_7 : vector<2000xf32>
    %broadcast_in_dim3A = vector.shape_cast %rsqrt3A : vector<2000xf32> to vector<2000x1xf32>
    %get3A_8 = arith.constant 0 : index
    %get3A_9 = arith.constant 0 : index
    %get3A_10 = vector.load %arg2[%get3A_8, %get3A_9] : memref<2000x128xf32, #tpu.memory_space<vmem>>, vector<2000x128xf32>
    %get3A_11 = arith.constant 0 : index
    %get3A_12 = arith.constant 0 : index
    %get3A_13 = vector.load %arg3[%get3A_11, %get3A_12] : memref<128x128xf32, #tpu.memory_space<vmem>>, vector<128x128xf32>
    %dot_general3A = arith.constant dense<0.000000e+00> : vector<2000x128xf32>
    %dot_general3A_14 = tpu.matmul %get3A_10, %get3A_13, %dot_general3A {dimension_numbers = #tpu.dot_dimension_numbers<[1], [0], [0], [1], [0, 0, 1, 1], [], []>, transpose_lhs_hint = false} : vector<2000x128xf32>, vector<128x128xf32>, vector<2000x128xf32> -> vector<2000x128xf32>
    %mul3A = vector.broadcast %broadcast_in_dim3A : vector<2000x1xf32> to vector<2000x128xf32>
    %mul3A_15 = arith.mulf %dot_general3A_14, %mul3A : vector<2000x128xf32>
    %swap3A = arith.constant 0 : index
    %swap3A_16 = arith.constant 0 : index
    %swap3A_17 = vector.load %arg4[%swap3A, %swap3A_16] : memref<2000x128xf32, #tpu.memory_space<vmem>>, vector<2000x128xf32>
    tpu.vector_store %arg4[%swap3A, %swap3A_16], %mul3A_15 {strides = array<i32>} : memref<2000x128xf32, #tpu.memory_space<vmem>>, vector<2000x128xf32>,
    return
  }
  func.func @transform_0(%arg0: i32) -> (i32, i32, i32) {
    %c0_i32 = arith.constant 0 : i32
    %c0_i32_0 = arith.constant 0 : i32
    %c0_i32_1 = arith.constant 0 : i32
    return %c0_i32, %arg0, %c0_i32_0 : i32, i32, i32
  }
  func.func @transform_1(%arg0: i32) -> (i32, i32) {
    %c0_i32 = arith.constant 0 : i32
    %c0_i32_0 = arith.constant 0 : i32
    return %arg0, %c0_i32 : i32, i32
  }
  func.func @transform_2(%arg0: i32) -> (i32, i32) {
    %c0_i32 = arith.constant 0 : i32
    %c0_i32_0 = arith.constant 0 : i32
    %c0_i32_1 = arith.constant 0 : i32
    return %c0_i32, %c0_i32_0 : i32, i32
  }
  func.func @transform_3(%arg0: i32) -> (i32, i32) {
    %c0_i32 = arith.constant 0 : i32
    %c0_i32_0 = arith.constant 0 : i32
    return %arg0, %c0_i32 : i32, i32
  }
}

module attributes {stable_mosaic.version = 14 : i64} {
  func.func @_tc_final_body(%arg0: i32, %arg1: memref<2x2000x128xf32, #tpu.memory_space<vmem>>, %arg2: memref<2x2000x128xf32, #tpu.memory_space<vmem>>, %arg3: memref<2000x128xf32, #tpu.memory_space<vmem>>, %arg4: memref<1x128xf32, #tpu.memory_space<vmem>>, %arg5: memref<2000x128xf32, #tpu.memory_space<vmem>>) attributes {dimension_semantics = [#tpu.dimension_semantics<arbitrary>], iteration_bounds = array<i64: 5>, scalar_prefetch = 0 : i64, scratch_operands = 0 : i64, tpu.core_type = #tpu.core_type<tc>, window_params = [{transform_indices = @transform_0, window_bounds = array<i64: 2, 2000, 128>}, {transform_indices = @transform_1, window_bounds = array<i64: 2, 2000, 128>}, {transform_indices = @transform_2, window_bounds = array<i64: 2000, 128>}, {pipeline_mode = #tpu.pipeline_mode<synchronous>, transform_indices = @transform_3, window_bounds = array<i64: 1, 128>}, {transform_indices = @transform_4, window_bounds = array<i64: 2000, 128>}]} {
    %get3A = arith.constant 0 : index
    %get3A_0 = arith.constant 0 : index
    %get3A_1 = arith.constant 0 : index
    %get3A_2 = vector.load %arg1[%get3A, %get3A_0, %get3A_1] : memref<2x2000x128xf32, #tpu.memory_space<vmem>>, vector<2x2000x128xf32>
    %slice3A = vector.extract_strided_slice %get3A_2 {offsets = [0, 0, 0], sizes = [1, 2000, 1], strides = [1, 1, 1]} : vector<2x2000x128xf32> to vector<1x2000x1xf32>
    %squeeze3A = vector.shape_cast %slice3A : vector<1x2000x1xf32> to vector<2000xf32>
    %slice3A_3 = vector.extract_strided_slice %get3A_2 {offsets = [1, 0, 0], sizes = [1, 2000, 1], strides = [1, 1, 1]} : vector<2x2000x128xf32> to vector<1x2000x1xf32>
    %squeeze3A_4 = vector.shape_cast %slice3A_3 : vector<1x2000x1xf32> to vector<2000xf32>
    %add3A = arith.addf %squeeze3A, %squeeze3A_4 : vector<2000xf32>
    %add3A_5 = arith.constant 1.000000e+00 : f32
    %add3A_6 = vector.broadcast %add3A_5 : f32 to vector<2000xf32>
    %add3A_7 = arith.addf %add3A, %add3A_6 : vector<2000xf32>
    %rsqrt3A = math.rsqrt %add3A_7 : vector<2000xf32>
    %broadcast_in_dim3A = vector.shape_cast %rsqrt3A : vector<2000xf32> to vector<2000x1xf32>
    %get3A_8 = arith.constant 0 : index
    %get3A_9 = arith.constant 0 : index
    %get3A_10 = arith.constant 0 : index
    %get3A_11 = vector.load %arg2[%get3A_8, %get3A_9, %get3A_10] : memref<2x2000x128xf32, #tpu.memory_space<vmem>>, vector<1x2000x128xf32>
    %get3A_12 = vector.shape_cast %get3A_11 : vector<1x2000x128xf32> to vector<2000x128xf32>
    %get3A_13 = arith.constant 1 : index
    %get3A_14 = arith.constant 0 : index
    %get3A_15 = arith.constant 0 : index
    %get3A_16 = vector.load %arg2[%get3A_13, %get3A_14, %get3A_15] : memref<2x2000x128xf32, #tpu.memory_space<vmem>>, vector<1x2000x128xf32>
    %get3A_17 = vector.shape_cast %get3A_16 : vector<1x2000x128xf32> to vector<2000x128xf32>
    %add3A_18 = arith.addf %get3A_12, %get3A_17 : vector<2000x128xf32>
    %get3A_19 = arith.constant 0 : index
    %get3A_20 = arith.constant 0 : index
    %get3A_21 = vector.load %arg3[%get3A_19, %get3A_20] : memref<2000x128xf32, #tpu.memory_space<vmem>>, vector<2000x128xf32>
    %add3A_22 = arith.addf %add3A_18, %get3A_21 : vector<2000x128xf32>
    %mul3A = vector.broadcast %broadcast_in_dim3A : vector<2000x1xf32> to vector<2000x128xf32>
    %mul3A_23 = arith.mulf %add3A_22, %mul3A : vector<2000x128xf32>
    %get3A_24 = arith.constant 0 : index
    %get3A_25 = arith.constant 0 : index
    %get3A_26 = vector.load %arg4[%get3A_24, %get3A_25] : memref<1x128xf32, #tpu.memory_space<vmem>>, vector<1x128xf32>
    %add3A_27 = vector.broadcast %get3A_26 : vector<1x128xf32> to vector<2000x128xf32>
    %add3A_28 = arith.addf %mul3A_23, %add3A_27 : vector<2000x128xf32>
    %swap3A = arith.constant 0 : index
    %swap3A_29 = arith.constant 0 : index
    %swap3A_30 = vector.load %arg5[%swap3A, %swap3A_29] : memref<2000x128xf32, #tpu.memory_space<vmem>>, vector<2000x128xf32>
    tpu.vector_store %arg5[%swap3A, %swap3A_29], %add3A_28 {strides = array<i32>} : memref<2000x128xf32, #tpu.memory_space<vmem>>, vector<2000x128xf32>,
    return
  }
  func.func @transform_0(%arg0: i32) -> (i32, i32, i32) {
    %c0_i32 = arith.constant 0 : i32
    %c0_i32_0 = arith.constant 0 : i32
    %c0_i32_1 = arith.constant 0 : i32
    return %c0_i32, %arg0, %c0_i32_0 : i32, i32, i32
  }
  func.func @transform_1(%arg0: i32) -> (i32, i32, i32) {
    %c0_i32 = arith.constant 0 : i32
    %c0_i32_0 = arith.constant 0 : i32
    %c0_i32_1 = arith.constant 0 : i32
    return %c0_i32, %arg0, %c0_i32_0 : i32, i32, i32
  }
  func.func @transform_2(%arg0: i32) -> (i32, i32) {
    %c0_i32 = arith.constant 0 : i32
    %c0_i32_0 = arith.constant 0 : i32
    return %arg0, %c0_i32 : i32, i32
  }
  func.func @transform_3(%arg0: i32) -> (i32, i32) {
    %c0_i32 = arith.constant 0 : i32
    %c0_i32_0 = arith.constant 0 : i32
    %c0_i32_1 = arith.constant 0 : i32
    return %c0_i32, %c0_i32_0 : i32, i32
  }
  func.func @transform_4(%arg0: i32) -> (i32, i32) {
    %c0_i32 = arith.constant 0 : i32
    %c0_i32_0 = arith.constant 0 : i32
    return %arg0, %c0_i32 : i32, i32
  }
}

</mosaic_0001>

<sc_bundles>
// kernel: kernel.10.cloned.1.call-start
scs
__scs_entry_jumppad:
0x0: {  	(pc) =	sbr.rel $0x88, $3  }
0x1: {  	(tag) =	ssettag $0x0;
	lr =	simm.s32 $0x1  }
0x2: {  	[smem:$0x3F99] =	sst lr;
	_ =	strace $0xD0000000  }
0x3: {  	_ = 	snop  }
0x4: {  	_ = 	snop  }
0x5: {  	_ = 	snop  }
0x6: {  	_ = 	snop  }
0x7: {  	_ = 	snop  }
__scs_overlays_trampoline_lowered:
0x8: {  	[smem:$0x3FA8] =	sst s0  }
0x9: {  	[smem:$0x3FA9] =	sst s1  }
0xa: {  	[smem:$0x3FAA] =	sst s2  }
0xb: {  	[smem:$0x3FAB] =	sst s3  }
0xc: {  	[smem:$0x3FAC] =	sst s4  }
0xd: {  	[smem:$0x3FAD] =	sst s5  }
0xe: {  	[smem:$0x3FAE] =	sst s6  }
0xf: {  	[smem:$0x3FAF] =	sst s7  }
0x10: {  	[smem:$0x3FB0] =	sst s8  }
0x11: {  	[smem:$0x3FB1] =	sst s9;
	s0 =	simm.s32 @!p0 $0x0  }
0x12: {  	s1 =	sld [smem:$0x3F97];
	s0 =	simm.s32 @p0 $0x1  }
0x13: {  	[smem:$0x3FB2] =	sst s0;
	s0 =	simm.s32 @!p1 $0x0  }
0x14: {  	s2 =	sld [smem:$0x3F96];
	s0 =	simm.s32 @p1 $0x1  }
0x15: {  	[smem:$0x3FB3] =	sst s0;
	s0 =	simm.s32 @!p2 $0x0  }
0x16: {  	s3 =	sld [smem:$0x3FDB];
	s0 =	simm.s32 @p2 $0x1  }
0x17: {  	s4 =	simm.s32 $0x1BF5;
	[smem:$0x3FB5] =	sst s0  }
0x18: {  	s0 =	sld [smem:$0x3F98];
	_ =	swait.ge [sflag:s4], $0x0  }
0x19: {  	s7 =	sld [smem:$0x3F99]  }
0x1a: {  	s8 =	sadd.s32 $0xFFFFE003, lr  }
0x1b: {  	s9 =	sadd.s32 $0xFFFFFEF7, lr;
	s5 =	simm.s32 $0xFFFFFFFF;
	p2 =	slt.u32 s8, $0xFFFFF086  }
0x1c: {  	p1 =	slt.u32 s9, $0xF7A;
	s5 =	simm.s32 @!p2 $0x0  }
0x1d: {  	s5 =	simm.s32 @p1 $0x1;
	p0 =	seq.s32 s7, s2  }
0x1e: {  	s7 =	smul.u32 @!p0 $0xF7A, s2;
	p2 =	seq.s32 @!p0 s5, $0x0  }
0x1f: {  	s9 =	smul.u32 $0xF7A, s1;
	s8 =	simm.s32 @!p0 $0x1BF5;
	p2 =	por !p2, p0  }
0x20: {  	[sflag:s8] =	ssyncset.s32 @!p0 $0xFFFFF086;
	s6 =	sadd.s32 @!p0 s3, s7;
	s7 =	simm.s32 @!p0 $0x108  }
0x21: {  	s3 =	sadd.s32 s3, s9;
	s6 =	sadd.s32 @!p0 $0x88, s6;
	s7 =	simm.s32 @p2 $0x1082  }
0x22: {  	[simem:s7], [sflag:s8] =	dma.local @!p0 [hbm:s6], $0xF7A  }
0x23: {  	s9 =	sor.u32 $0xD0000000, s2;
	s6 =	simm.s32 $0x108;
	_ =	swait.ge @!p0 [sflag:s8], $0x0  }
0x24: {  	s3 =	sadd.s32 $0x88, s3;
	s6 =	simm.s32 @!p1 $0x1082;
	[sflag:s4] =	ssyncset.s32 $0xFFFFF086  }
0x25: {  	[simem:s6], [sflag:s4] =	dma.local [hbm:s3], $0xF7A  }
0x26: {  	[smem:$0x3F99] =	sst s1;
	(tag) =	ssettag s2;
	_ =	strace s9  }
0x27: {  	s1 =	sld [smem:$0x3FA9]  }
0x28: {  	s2 =	sld [smem:$0x3FAA]  }
0x29: {  	s4 =	sld [smem:$0x3FAC]  }
0x2a: {  	p0 =	seq.s32 s5, $0x0;
	s5 =	sld [smem:$0x3FAD]  }
0x2b: {  	s6 =	sld [smem:$0x3FAE]  }
0x2c: {  	s7 =	sld [smem:$0x3FAF]  }
0x2d: {  	s3 =	simm.s32 $0x108;
	s8 =	sld [smem:$0x3FB0]  }
0x2e: {  	s3 =	simm.s32 @!p0 $0x1082;
	s9 =	sld [smem:$0x3FB1]  }
0x2f: {  	lr =	sadd.s32 s0, s3;
	s0 =	sld [smem:$0x3FA8]  }
0x30: {  	s3 =	sld [smem:$0x3FAB]  }
0x31: {  	[smem:$0x3FB4] =	sst s10  }
0x32: {  	s10 =	sld [smem:$0x3FB2];
	_ =	sdelay $0x3  }
0x33: {  	p0 =	seq.s32 s10, $0x1;
	s10 =	sld [smem:$0x3FB4];
	_ =	sdelay $0x3  }
0x34: {  	[smem:$0x3FB4] =	sst s10  }
0x35: {  	s10 =	sld [smem:$0x3FB3];
	_ =	sdelay $0x3  }
0x36: {  	p1 =	seq.s32 s10, $0x1;
	s10 =	sld [smem:$0x3FB4];
	_ =	sdelay $0x3  }
0x37: {  	[smem:$0x3FB4] =	sst s10  }
0x38: {  	s10 =	sld [smem:$0x3FB5]  }
0x39: {  	_ = 	snop;
	(pc) =	sbr.ind lr, $3  }
0x3a: {  	_ = 	snop  }
0x3b: {  	_ = 	snop  }
0x3c: {  	p2 =	seq.s32 s10, $0x1;
	s10 =	sld [smem:$0x3FB4]  }
0x3d: {  	_ =	shalt  }
0x3e: {  	_ =	shalt  }
0x3f: {  	_ =	shalt  }
0x40: {  	_ =	shalt  }
0x41: {  	_ =	shalt  }
0x42: {  	_ =	shalt  }
0x43: {  	_ =	shalt  }
0x44: {  	_ =	shalt  }
0x45: {  	_ =	shalt  }
0x46: {  	_ =	shalt  }
0x47: {  	_ =	shalt  }
0x48: {  	_ =	shalt  }
0x49: {  	_ =	shalt  }
0x4a: {  	_ =	shalt  }
0x4b: {  	_ =	shalt  }
0x4c: {  	_ =	shalt  }
0x4d: {  	_ =	shalt  }
0x4e: {  	_ =	shalt  }
0x4f: {  	_ =	shalt  }
0x50: {  	_ =	shalt  }
0x51: {  	_ =	shalt  }
0x52: {  	_ =	shalt  }
0x53: {  	_ =	shalt  }
0x54: {  	_ =	shalt  }
0x55: {  	_ =	shalt  }
0x56: {  	_ =	shalt  }
0x57: {  	_ =	shalt  }
0x58: {  	_ =	shalt  }
0x59: {  	_ =	shalt  }
0x5a: {  	_ =	shalt  }
0x5b: {  	_ =	shalt  }
0x5c: {  	_ =	shalt  }
0x5d: {  	_ =	shalt  }
0x5e: {  	_ =	shalt  }
0x5f: {  	_ =	shalt  }
0x60: {  	_ =	shalt  }
0x61: {  	_ =	shalt  }
0x62: {  	_ =	shalt  }
0x63: {  	_ =	shalt  }
0x64: {  	_ =	shalt  }
0x65: {  	_ =	shalt  }
0x66: {  	_ =	shalt  }
0x67: {  	_ =	shalt  }
0x68: {  	_ =	shalt  }
0x69: {  	_ =	shalt  }
0x6a: {  	_ =	shalt  }
0x6b: {  	_ =	shalt  }
0x6c: {  	_ =	shalt  }
0x6d: {  	_ =	shalt  }
0x6e: {  	_ =	shalt  }
0x6f: {  	_ =	shalt  }
0x70: {  	_ =	shalt  }
0x71: {  	_ =	shalt  }
0x72: {  	_ =	shalt  }
0x73: {  	_ =	shalt  }
0x74: {  	_ =	shalt  }
0x75: {  	_ =	shalt  }
0x76: {  	_ =	shalt  }
0x77: {  	_ =	shalt  }
0x78: {  	_ =	shalt  }
0x79: {  	_ =	shalt  }
0x7a: {  	_ =	shalt  }
0x7b: {  	_ =	shalt  }
0x7c: {  	_ =	shalt  }
0x7d: {  	_ =	shalt  }
0x7e: {  	_ =	shalt  }
0x7f: {  	_ =	shalt  }
0x80: {  	_ =	shalt  }
0x81: {  	_ =	shalt  }
0x82: {  	_ =	shalt  }
0x83: {  	_ =	shalt  }
0x84: {  	_ =	shalt  }
0x85: {  	_ =	shalt  }
0x86: {  	_ =	shalt  }
0x87: {  	_ =	shalt  }
.Lfunc_end0:
.L_simem_size_0:
called_computation_lowered:
.L_overlay_start_0:
0x88: {  	s2 =	sld [smem:$0x3FD9]  }
0x89: {  	s3 =	sld [smem:$0x3FFE];
	_ =	sdelay $0x1  }
0x8a: {  	s1 =	srdreg.scid  }
0x8b: {  	s0 =	sand.u32 $0x1, s1  }
0x8c: {  	s17 =	sshll.u32 s0, $0xA;
	s2 =	sadd.s32 s3, s2  }
0x8d: {  	s2 =	sadd.s32 s2, s17  }
0x8e: {  	[smem:$0x3FC0] =	sst s2  }
0x8f: {  	_ = 	snop  }
0x90: {  	s2 =	sld [smem:$0x3FD0];
	(tm) =	ssettm $0x1  }
0x91: {  	s18 =	sld [smem:$0x3FFB];
	_ =	sdelay $0x3  }
0x92: {  	_ =	strace s18  }
0x93: {  	s3 =	sld [smem:$0x3FFC];
	_ =	sdelay $0x3  }
0x94: {  	_ =	strace s3  }
0x95: {  	s3 =	sld [smem:$0x3FFD];
	_ =	sdelay $0x3  }
0x96: {  	_ =	strace s3  }
0x97: {  	_ =	strace $0x8FFFFFFF  }
0x98: {  	s19 =	sld [smem:$0x3FDB];
	_ =	sdelay $0x1  }
0x99: {  	s4 =	simm.s32 $_scs_section_size  }
0x9a: {  	s5 =	simm.s32 $_size__tile_overlayer_lowered;
	s6 =	simm.s32 $_tile_overlayer_lowered  }
0x9b: {  	s22 =	simm.s32 $0x1BFF;
	s21 =	sshll.u32 s6, $0x1;
	s3 =	sadd.s32 s4, s19  }
0x9c: {  	s7 =	simm.s32 $0x0;
	s20 =	sshll.u32 s5, $0x1;
	s5 =	sadd.s32 s21, s3  }
0x9d: {  	[timem:s7], [sflag:s22] =	dma.local [hbm:s5], s20  }
0x9e: {  	_ =	swait.ge [sflag:s22], s20  }
0x9f: {  	s4 =	ssub.s32 $0x0, s20;
	[sflag:s22] =	ssyncset.done $0x0  }
0xa0: {  	[sflag:s22] =	ssyncadd.s32 s4;
	_ =	sdelay $0x1  }
0xa1: {  	s23 =	simm.s32 $0x1B8B  }
0xa2: {  	_ =	swait.ge [sflag:s23], $0x1  }
0xa3: {  	[sflag:s23] =	ssyncset.done $0x0  }
0xa4: {  	s25 =	simm.s32 $0x1B8E;
	s24 =	sld [smem:$0x3FFE];
	[sflag:s23] =	ssyncadd.s32 $0xFFFFFFFF  }
0xa5: {  	s26 =	simm.s32 $execute0_lowered;
	[smem:$0x3FD2] =	sst s25  }
0xa6: {  	s5 =	sshll.u32 s26, $0x1;
	_ =	strace $0x80000046;
	[dreg:$0x1] =	wrdreg $0xFFFFFFFF  }
0xa7: {  	s28 =	simm.s32 $_size_execute0_lowered;
	s3 =	sadd.s32 s3, s5;
	[dreg:$0x0] =	wrdreg $0x0  }
0xa8: {  	s5 =	sshll.u32 s28, $0x1;
	[dreg:$0x2] =	wrdreg s3  }
0xa9: {  	[dreg:$0x3] =	wrdreg s5  }
0xaa: {  	[dreg:$0x4] =	wrdreg $0xC0  }
0xab: {  	_ =	task [dreg:s7], $0x5FFFF  }
0xac: {  	[dreg:$0x1] =	wrdreg $0xFFFFFFFF  }
0xad: {  	[dreg:$0x0] =	wrdreg $0x60  }
0xae: {  	[dreg:$0x2] =	wrdreg s24  }
0xaf: {  	[dreg:$0x3] =	wrdreg s2  }
0xb0: {  	[dreg:$0x4] =	wrdreg $0x5F800  }
0xb1: {  	[dreg:$0x5] =	wrdreg $0x9  }
0xb2: {  	_ =	task.clear_ibuf [dreg:s7], $0x6FFFF;
	_ =	strace $0x90000046  }
0xb3: {  	s29 =	simm.s32 $0x9;
	_ =	strace $0x80000048  }
0xb4: {  	_ =	swait.ge [sflag:s29], $0x1  }
0xb5: {  	[sflag:s29] =	ssyncadd.s32 $0xFFFFFFFF  }
0xb6: {  	_ =	strace $0x90000048  }
0xb7: {  	_ =	sfence  }
0xb8: {  	s30 =	sld [smem:$0x0];
	_ =	sdelay $0x2  }
0xb9: {  	s31 =	sshll.u32 s1, $0xD;
	s1 =	sshrl.u32 s1, $0x2  }
0xba: {  	s3 =	sand.u32 $0x4000, s31;
	s1 =	sadd.s32 s1, s30  }
0xbb: {  	s0 =	sor.u32 s3, s0;
	s1 =	sshll.u32 s1, $0x11  }
0xbc: {  	s0 =	sor.u32 s1, s0  }
0xbd: {  	s0 =	sadd.s32 $0x8F2B, s0  }
0xbe: {  	[sflag:s0] =	ssyncadd.remote.s32 $0x1  }
0xbf: {  	_ =	sfence.sel $0xFFFF  }
0xc0: {  	[dreg:$0x0] =	wrdreg $0xFFFFFFFF;
	(pc) =	sbr.abs _section_cstart, $3  }
0xc1: {  	[dreg:$0x1] =	wrdreg $0xFFFFFFFF  }
0xc2: {  	_ =	task.clear_ibuf [dreg:s7], $0x2FFFF;
	_ =	strace $0x9FFFFFFF  }
0xc3: {  	(tm) =	ssettm $0x7FFFFFFF  }
tec
execute0_lowered:
.L_overlay_start_1:
0x0: {  	(tag) =	ssettag $0x1  }
0x1: {  	s0 =	srdreg.scid;
	s1 =	rddreg [dreg:$0x0]  }
0x2: {  	s9 =	stileid.u32;
	s3 =	rddreg [dreg:$0x2]  }
0x3: {  	s4 =	simm.s32 $0x0;
	s30 =	simm.s32 $0x0;
	s0 =	sand.u32 $0x1, s0  }
0x4: {  	[smem:$0x7FF] =	sst s4;
	s6 =	smul.u32 $0x14000, s9;
	s5 =	sadd.s32 $0xC800, s1  }
0x5: {  	s2 =	sshll.u32 s0, $0x4;
	s4 =	smul.u32 $0x140000, s0;
	s0 =	ssub.s32 $0x2, s0  }
0x6: {  	_ =	strace $0x80000047;
	s2 =	sor.u32 s9, s2;
	s7 =	sshrl.u32 s0, $0x1  }
0x7: {  	s9 =	smul.u32 $0x50000, s9;
	s19 =	sor.u32 $0x2800, s6;
	s20 =	sadd.s32 $0x5000, s6  }
0x8: {  	s23 =	sadd.s32 $0x7800, s6;
	s24 =	sadd.s32 $0xA000, s6;
	s21 =	sadd.s32 $0xC800, s6  }
0x9: {  	s22 =	sadd.s32 $0xF000, s6;
	s2 =	smul.u32 $0x4F0, s2;
	s8 =	sadd.s32 s4, s6  }
0xa: {  	s0 =	ssub.s32 s0, s7;
	s10 =	sadd.s32 s19, s3;
	s11 =	sadd.s32 s20, s3  }
0xb: {  	s12 =	sadd.s32 s23, s3;
	s13 =	sadd.s32 s24, s3;
	s14 =	sadd.s32 s21, s3  }
0xc: {  	s6 =	sadd.s32 $0x11800, s6;
	s15 =	sadd.s32 s22, s3;
	s25 =	sadd.s32 s4, s20  }
0xd: {  	s26 =	sadd.s32 s4, s23;
	s28 =	sadd.s32 s4, s24;
	s29 =	sadd.s32 s4, s21  }
0xe: {  	s31 =	sadd.s32 s4, s22;
	s24 =	simm.s32 $0x2780;
	s17 =	sshrl.u32 s8, $0x3  }
0xf: {  	s0 =	smax.u32 s0, $0x1;
	s18 =	sshrl.u32 s9, $0x2;
	s16 =	sadd.s32 s6, s3  }
0x10: {  	s7 =	sshrl.u32 s28, $0x3;
	s2 =	sadd.s32 s2, s1;
	s1 =	sadd.s32 $0xCE00, s1  }
0x11: {  	[dreg:$0x6] =	wrdreg s0;
	s0 =	sadd.s32 s18, s3;
	s2 =	sadd.s32 $0x2A00, s2  }
0x12: {  	[dreg:$0x7] =	wrdreg s0;
	s0 =	sadd.s32 s4, s19;
	s20 =	sadd.s32 s1, s7  }
0x13: {  	s4 =	sadd.s32 s4, s6;
	[dreg:$0x4] =	wrdreg s2;
	s2 =	sadd.s32 s1, s17  }
0x14: {  	s0 =	sshrl.u32 s0, $0x3;
	s4 =	sshrl.u32 s4, $0x3;
	[dreg:$0x5] =	wrdreg s2  }
0x15: {  	s17 =	sadd.s32 s1, s0;
	s0 =	sshrl.u32 s25, $0x3;
	s2 =	sshrl.u32 s26, $0x3  }
0x16: {  	s23 =	sadd.s32 s1, s4;
	s25 =	simm.s32 $0x1;
	s18 =	sadd.s32 s1, s0  }
0x17: {  	s19 =	sadd.s32 s1, s2;
	s0 =	sshrl.u32 s29, $0x3;
	s2 =	sshrl.u32 s31, $0x3  }
0x18: {  	s26 =	simm.s32 $0x70;
	s21 =	sadd.s32 s1, s0;
	s22 =	sadd.s32 s1, s2  }
.LBB2_1:
0x19: {  	s0 =	rddreg [dreg:$0x1];
	s8 =	simm.s32 $0x0  }
0x1a: {  	[tilespmem:s24], [sflag:$0x1] =	stream.linear.gather [hbm4b:s0+s8], $0x3800, $0x38;
	[tilespmem:$0x19F80] =	vst v63  }
0x1b: {  	s6 =	stileid.u32;
	_ =	swait.ge [sflag:s25], $0x3800  }
0x1c: {  	s0 =	sshll.u32 s6, $0x6;
	[sflag:s25] =	ssyncset.done $0x0;
	s7 =	rddreg [dreg:$0x7]  }
0x1d: {  	s31 =	sor.u32 $0x1C01, s0;
	[sflag:s25] =	ssyncadd.s32 $0xFFFFC800;
	s1 =	sshrl.u32 s7, $0x3  }
0x1e: {  	[spmem:s1], [sflag:s31] =	dma.local [hbm:s5], $0x500  }
0x1f: {  	_ =	swait.ge [sflag:s25], $0x500  }
0x20: {  	[sflag:s25] =	ssyncset.done $0x0  }
0x21: {  	s2 =	sshrl.u32 s10, $0x3;
	[sflag:s25] =	ssyncadd.s32 $0xFFFFFB00  }
0x22: {  	[spmem:s2], [sflag:s31] =	dma.local [hbm:s5], $0x500  }
0x23: {  	_ =	swait.ge [sflag:s25], $0x500  }
0x24: {  	[sflag:s25] =	ssyncset.done $0x0  }
0x25: {  	s0 =	sshrl.u32 s11, $0x3;
	[sflag:s25] =	ssyncadd.s32 $0xFFFFFB00  }
0x26: {  	[spmem:s0], [sflag:s31] =	dma.local [hbm:s5], $0x500  }
0x27: {  	_ =	swait.ge [sflag:s25], $0x500  }
0x28: {  	[sflag:s25] =	ssyncset.done $0x0  }
0x29: {  	s28 =	sshrl.u32 s12, $0x3;
	[sflag:s25] =	ssyncadd.s32 $0xFFFFFB00  }
0x2a: {  	[spmem:s28], [sflag:s31] =	dma.local [hbm:s5], $0x500  }
0x2b: {  	_ =	swait.ge [sflag:s25], $0x500  }
0x2c: {  	[sflag:s25] =	ssyncset.done $0x0  }
0x2d: {  	s29 =	sshrl.u32 s13, $0x3;
	[sflag:s25] =	ssyncadd.s32 $0xFFFFFB00  }
0x2e: {  	[spmem:s29], [sflag:s31] =	dma.local [hbm:s5], $0x500  }
0x2f: {  	_ =	swait.ge [sflag:s25], $0x500  }
0x30: {  	[sflag:s25] =	ssyncset.done $0x0  }
0x31: {  	s4 =	sshrl.u32 s14, $0x3;
	[sflag:s25] =	ssyncadd.s32 $0xFFFFFB00  }
0x32: {  	[spmem:s4], [sflag:s31] =	dma.local [hbm:s5], $0x500  }
0x33: {  	_ =	swait.ge [sflag:s25], $0x500  }
0x34: {  	[sflag:s25] =	ssyncset.done $0x0  }
0x35: {  	s6 =	sshrl.u32 s15, $0x3;
	[sflag:s25] =	ssyncadd.s32 $0xFFFFFB00  }
0x36: {  	[spmem:s6], [sflag:s31] =	dma.local [hbm:s5], $0x500  }
0x37: {  	_ =	swait.ge [sflag:s25], $0x500  }
0x38: {  	[sflag:s25] =	ssyncset.done $0x0  }
0x39: {  	s7 =	sshrl.u32 s16, $0x3;
	[sflag:s25] =	ssyncadd.s32 $0xFFFFFB00  }
0x3a: {  	[spmem:s7], [sflag:s31] =	dma.local [hbm:s5], $0x500  }
0x3b: {  	_ =	swait.ge [sflag:s25], $0x500  }
0x3c: {  	[sflag:s25] =	ssyncset.done $0x0  }
0x3d: {  	s9 =	rddreg [dreg:$0x4];
	[sflag:s25] =	ssyncadd.s32 $0xFFFFFB00  }
0x3e: {  	[tilespmem:s8], [sflag:$0x1] =	stream.linear.gather [hbm4b:s9+s8], $0x2780, $0x38;
	[tilespmem:$0x19F80] =	vst v63  }
0x3f: {  	_ =	swait.ge [sflag:s25], $0x2780  }
0x40: {  	[sflag:s25] =	ssyncset.done $0x0  }
0x41: {  	[sflag:s25] =	ssyncadd.s32 $0xFFFFD880  }
0x42: {  	s9 =	simm.s32 $0x0;
	[bflag:$0x0] =	sbarrier.arrive $0xFFFF  }
0x43: {  	[spmem:s3] =	stream.indirect.scatter.add.f32 [tilespmem:s24], [sflag:$0x1], $0x80, s9, s26, $0xb8;
	[tilespmem:$0x19F80] =	vst v63  }
0x44: {  	_ =	swait.ge [sflag:s25], $0x3800  }
0x45: {  	s8 =	simm.s32 $0x1C0;
	[sflag:s25] =	ssyncset.done $0x0  }
.LBB2_2:
0x46: {  	s9 =	sshra.s32 s8, $0x2;
	[sflag:s25] =	ssyncadd.s32 $0xFFFFC800;
	p0 =	sne.s32 s8, $0x9A00  }
0x47: {  	[spmem:s3] =	stream.indirect.scatter.add.f32 [tilespmem:s24], [sflag:$0x1], $0x80, s9, s26, $0xb8;
	[tilespmem:$0x19F80] =	vst v63  }
.Ltmp0:
0x48: {  	_ = 	snop;
	(pc) =	sbr.rel @p0 .LBB2_2-.Ltmp0, $4  }
0x49: {  	_ = 	snop  }
0x4a: {  	s8 =	sadd.s32 $0x1C0, s8  }
0x4b: {  	_ =	swait.ge [sflag:s25], $0x3800  }
0x4c: {  	[sflag:s25] =	ssyncset.done $0x0  }
0x4d: {  	[sflag:s25] =	ssyncadd.s32 $0xFFFFC800;
	s8 =	simm.s32 $0x20;
	s9 =	simm.s32 $0x26F0  }
0x4e: {  	[spmem:s3] =	stream.indirect.scatter.add.f32 [tilespmem:s24], [sflag:$0x1], $0x80, s9, s8, $0xb8;
	[tilespmem:$0x19F80] =	vst v63  }
0x4f: {  	_ =	swait.ge [sflag:s25], $0x1000  }
0x50: {  	[sflag:s25] =	ssyncset.done $0x0  }
0x51: {  	[sflag:s25] =	ssyncadd.s32 $0xFFFFF000  }
0x52: {  	[bflag:$0x0] =	sbarrier.arrive $0xFFFF  }
0x53: {  	s9 =	rddreg [dreg:$0x5]  }
0x54: {  	[hbm:s9], [sflag:s31] =	dma.local [spmem:s1], $0x500  }
0x55: {  	_ =	swait.ge [sflag:s25], $0x500  }
0x56: {  	[sflag:s25] =	ssyncset.done $0x0  }
0x57: {  	[sflag:s25] =	ssyncadd.s32 $0xFFFFFB00  }
0x58: {  	[hbm:s17], [sflag:s31] =	dma.local [spmem:s2], $0x500  }
0x59: {  	_ =	swait.ge [sflag:s25], $0x500  }
0x5a: {  	[sflag:s25] =	ssyncset.done $0x0  }
0x5b: {  	[sflag:s25] =	ssyncadd.s32 $0xFFFFFB00  }
0x5c: {  	[hbm:s18], [sflag:s31] =	dma.local [spmem:s0], $0x500  }
0x5d: {  	_ =	swait.ge [sflag:s25], $0x500  }
0x5e: {  	[sflag:s25] =	ssyncset.done $0x0  }
0x5f: {  	[sflag:s25] =	ssyncadd.s32 $0xFFFFFB00  }
0x60: {  	[hbm:s19], [sflag:s31] =	dma.local [spmem:s28], $0x500  }
0x61: {  	_ =	swait.ge [sflag:s25], $0x500  }
0x62: {  	[sflag:s25] =	ssyncset.done $0x0  }
0x63: {  	[sflag:s25] =	ssyncadd.s32 $0xFFFFFB00  }
0x64: {  	[hbm:s20], [sflag:s31] =	dma.local [spmem:s29], $0x500  }
0x65: {  	_ =	swait.ge [sflag:s25], $0x500  }
0x66: {  	[sflag:s25] =	ssyncset.done $0x0  }
0x67: {  	[sflag:s25] =	ssyncadd.s32 $0xFFFFFB00  }
0x68: {  	[hbm:s21], [sflag:s31] =	dma.local [spmem:s4], $0x500  }
0x69: {  	_ =	swait.ge [sflag:s25], $0x500  }
0x6a: {  	[sflag:s25] =	ssyncset.done $0x0  }
0x6b: {  	[sflag:s25] =	ssyncadd.s32 $0xFFFFFB00  }
0x6c: {  	[hbm:s22], [sflag:s31] =	dma.local [spmem:s6], $0x500  }
0x6d: {  	_ =	swait.ge [sflag:s25], $0x500  }
0x6e: {  	[sflag:s25] =	ssyncset.done $0x0  }
0x6f: {  	[sflag:s25] =	ssyncadd.s32 $0xFFFFFB00  }
0x70: {  	[hbm:s23], [sflag:s31] =	dma.local [spmem:s7], $0x500  }
0x71: {  	_ =	swait.ge [sflag:s25], $0x500  }
0x72: {  	s30 =	sadd.s32 $0x1, s30;
	s31 =	rddreg [dreg:$0x6]  }
0x73: {  	p0 =	sne.s32 s30, s31  }
.Ltmp1:
0x74: {  	_ = 	snop;
	(pc) =	sbr.rel @p0 .LBB2_1-.Ltmp1, $3  }
0x75: {  	_ =	sdelay $0x1  }
0x76: {  	[sflag:s25] =	ssyncset.done $0x0  }
0x77: {  	[sflag:s25] =	ssyncadd.s32 $0xFFFFFB00  }
0x78: {  	_ =	sfence.sel $0x180000  }
0x79: {  	[bflag:$0x0] =	sbarrier.arrive $0xFFFF  }
0x7a: {  	_ =	strace $0x90000047  }
0x7b: {  	s0 =	stileid.u32;
	[bflag:$0x2] =	sbarrier.arrive $0xFFFF  }
0x7c: {  	p0 =	sne.s32 s0, $0x0;
	s0 =	rddreg [dreg:$0x3]  }
0x7d: {  	s0 =	sadd.s32 @!p0 $0x100000, s0  }
0x7e: {  	[sflag:s0] =	ssyncadd.tile.s32 @!p0 $0x1;
	_ =	shalt  }
.Lfunc_end2:
_tile_overlayer_lowered:
.L_overlay_start_2:
0x7f: {  	(tag) =	ssettag $0x2  }
0x80: {  	s0 =	rddreg [dreg:$0x0];
	s2 =	stileid.u32  }
0x81: {  	s1 =	rddreg [dreg:$0x1];
	p0 =	sne.s32 s2, $0x0  }
0x82: {  	s3 =	rddreg [dreg:$0x2];
	[bflag:$0x3] =	sbarrier.arrive $0xFFFF;
	s2 =	simm.s32 @!p0 $0x1C01  }
0x83: {  	[timem:s3], [sflag:s2] =	dma.local @!p0 [hbm:s0], s1  }
0x84: {  	s0 =	simm.s32 @!p0 $0x1  }
0x85: {  	_ =	swait.ge @!p0 [sflag:s0], s1  }
0x86: {  	s1 =	ssub.s32 @!p0 $0x0, s1;
	[sflag:s0] =	ssyncset.done @!p0 $0x0  }
0x87: {  	[sflag:s0] =	ssyncadd.s32 @!p0 s1  }
0x88: {  	[bflag:$0x3] =	sbarrier.arrive $0xFFFF  }
0x89: {  	_ =	shalt  }

// kernel: kernel.13.cloned.1.call-start
scs
__scs_entry_jumppad:
0x0: {  	(pc) =	sbr.rel $0x88, $3  }
0x1: {  	(tag) =	ssettag $0x0;
	lr =	simm.s32 $0x1  }
0x2: {  	[smem:$0x3F99] =	sst lr;
	_ =	strace $0xD0000000  }
0x3: {  	_ = 	snop  }
0x4: {  	_ = 	snop  }
0x5: {  	_ = 	snop  }
0x6: {  	_ = 	snop  }
0x7: {  	_ = 	snop  }
__scs_overlays_trampoline_lowered:
0x8: {  	[smem:$0x3FA8] =	sst s0  }
0x9: {  	[smem:$0x3FA9] =	sst s1  }
0xa: {  	[smem:$0x3FAA] =	sst s2  }
0xb: {  	[smem:$0x3FAB] =	sst s3  }
0xc: {  	[smem:$0x3FAC] =	sst s4  }
0xd: {  	[smem:$0x3FAD] =	sst s5  }
0xe: {  	[smem:$0x3FAE] =	sst s6  }
0xf: {  	[smem:$0x3FAF] =	sst s7  }
0x10: {  	[smem:$0x3FB0] =	sst s8  }
0x11: {  	[smem:$0x3FB1] =	sst s9;
	s0 =	simm.s32 @!p0 $0x0  }
0x12: {  	s1 =	sld [smem:$0x3F97];
	s0 =	simm.s32 @p0 $0x1  }
0x13: {  	[smem:$0x3FB2] =	sst s0;
	s0 =	simm.s32 @!p1 $0x0  }
0x14: {  	s2 =	sld [smem:$0x3F96];
	s0 =	simm.s32 @p1 $0x1  }
0x15: {  	[smem:$0x3FB3] =	sst s0;
	s0 =	simm.s32 @!p2 $0x0  }
0x16: {  	s3 =	sld [smem:$0x3FDB];
	s0 =	simm.s32 @p2 $0x1  }
0x17: {  	s4 =	simm.s32 $0x1BF5;
	[smem:$0x3FB5] =	sst s0  }
0x18: {  	s0 =	sld [smem:$0x3F98];
	_ =	swait.ge [sflag:s4], $0x0  }
0x19: {  	s7 =	sld [smem:$0x3F99]  }
0x1a: {  	s8 =	sadd.s32 $0xFFFFE003, lr  }
0x1b: {  	s9 =	sadd.s32 $0xFFFFFEF7, lr;
	s5 =	simm.s32 $0xFFFFFFFF;
	p2 =	slt.u32 s8, $0xFFFFF086  }
0x1c: {  	p1 =	slt.u32 s9, $0xF7A;
	s5 =	simm.s32 @!p2 $0x0  }
0x1d: {  	s5 =	simm.s32 @p1 $0x1;
	p0 =	seq.s32 s7, s2  }
0x1e: {  	s7 =	smul.u32 @!p0 $0xF7A, s2;
	p2 =	seq.s32 @!p0 s5, $0x0  }
0x1f: {  	s9 =	smul.u32 $0xF7A, s1;
	s8 =	simm.s32 @!p0 $0x1BF5;
	p2 =	por !p2, p0  }
0x20: {  	[sflag:s8] =	ssyncset.s32 @!p0 $0xFFFFF086;
	s6 =	sadd.s32 @!p0 s3, s7;
	s7 =	simm.s32 @!p0 $0x108  }
0x21: {  	s3 =	sadd.s32 s3, s9;
	s6 =	sadd.s32 @!p0 $0x88, s6;
	s7 =	simm.s32 @p2 $0x1082  }
0x22: {  	[simem:s7], [sflag:s8] =	dma.local @!p0 [hbm:s6], $0xF7A  }
0x23: {  	s9 =	sor.u32 $0xD0000000, s2;
	s6 =	simm.s32 $0x108;
	_ =	swait.ge @!p0 [sflag:s8], $0x0  }
0x24: {  	s3 =	sadd.s32 $0x88, s3;
	s6 =	simm.s32 @!p1 $0x1082;
	[sflag:s4] =	ssyncset.s32 $0xFFFFF086  }
0x25: {  	[simem:s6], [sflag:s4] =	dma.local [hbm:s3], $0xF7A  }
0x26: {  	[smem:$0x3F99] =	sst s1;
	(tag) =	ssettag s2;
	_ =	strace s9  }
0x27: {  	s1 =	sld [smem:$0x3FA9]  }
0x28: {  	s2 =	sld [smem:$0x3FAA]  }
0x29: {  	s4 =	sld [smem:$0x3FAC]  }
0x2a: {  	p0 =	seq.s32 s5, $0x0;
	s5 =	sld [smem:$0x3FAD]  }
0x2b: {  	s6 =	sld [smem:$0x3FAE]  }
0x2c: {  	s7 =	sld [smem:$0x3FAF]  }
0x2d: {  	s3 =	simm.s32 $0x108;
	s8 =	sld [smem:$0x3FB0]  }
0x2e: {  	s3 =	simm.s32 @!p0 $0x1082;
	s9 =	sld [smem:$0x3FB1]  }
0x2f: {  	lr =	sadd.s32 s0, s3;
	s0 =	sld [smem:$0x3FA8]  }
0x30: {  	s3 =	sld [smem:$0x3FAB]  }
0x31: {  	[smem:$0x3FB4] =	sst s10  }
0x32: {  	s10 =	sld [smem:$0x3FB2];
	_ =	sdelay $0x3  }
0x33: {  	p0 =	seq.s32 s10, $0x1;
	s10 =	sld [smem:$0x3FB4];
	_ =	sdelay $0x3  }
0x34: {  	[smem:$0x3FB4] =	sst s10  }
0x35: {  	s10 =	sld [smem:$0x3FB3];
	_ =	sdelay $0x3  }
0x36: {  	p1 =	seq.s32 s10, $0x1;
	s10 =	sld [smem:$0x3FB4];
	_ =	sdelay $0x3  }
0x37: {  	[smem:$0x3FB4] =	sst s10  }
0x38: {  	s10 =	sld [smem:$0x3FB5]  }
0x39: {  	_ = 	snop;
	(pc) =	sbr.ind lr, $3  }
0x3a: {  	_ = 	snop  }
0x3b: {  	_ = 	snop  }
0x3c: {  	p2 =	seq.s32 s10, $0x1;
	s10 =	sld [smem:$0x3FB4]  }
0x3d: {  	_ =	shalt  }
0x3e: {  	_ =	shalt  }
0x3f: {  	_ =	shalt  }
0x40: {  	_ =	shalt  }
0x41: {  	_ =	shalt  }
0x42: {  	_ =	shalt  }
0x43: {  	_ =	shalt  }
0x44: {  	_ =	shalt  }
0x45: {  	_ =	shalt  }
0x46: {  	_ =	shalt  }
0x47: {  	_ =	shalt  }
0x48: {  	_ =	shalt  }
0x49: {  	_ =	shalt  }
0x4a: {  	_ =	shalt  }
0x4b: {  	_ =	shalt  }
0x4c: {  	_ =	shalt  }
0x4d: {  	_ =	shalt  }
0x4e: {  	_ =	shalt  }
0x4f: {  	_ =	shalt  }
0x50: {  	_ =	shalt  }
0x51: {  	_ =	shalt  }
0x52: {  	_ =	shalt  }
0x53: {  	_ =	shalt  }
0x54: {  	_ =	shalt  }
0x55: {  	_ =	shalt  }
0x56: {  	_ =	shalt  }
0x57: {  	_ =	shalt  }
0x58: {  	_ =	shalt  }
0x59: {  	_ =	shalt  }
0x5a: {  	_ =	shalt  }
0x5b: {  	_ =	shalt  }
0x5c: {  	_ =	shalt  }
0x5d: {  	_ =	shalt  }
0x5e: {  	_ =	shalt  }
0x5f: {  	_ =	shalt  }
0x60: {  	_ =	shalt  }
0x61: {  	_ =	shalt  }
0x62: {  	_ =	shalt  }
0x63: {  	_ =	shalt  }
0x64: {  	_ =	shalt  }
0x65: {  	_ =	shalt  }
0x66: {  	_ =	shalt  }
0x67: {  	_ =	shalt  }
0x68: {  	_ =	shalt  }
0x69: {  	_ =	shalt  }
0x6a: {  	_ =	shalt  }
0x6b: {  	_ =	shalt  }
0x6c: {  	_ =	shalt  }
0x6d: {  	_ =	shalt  }
0x6e: {  	_ =	shalt  }
0x6f: {  	_ =	shalt  }
0x70: {  	_ =	shalt  }
0x71: {  	_ =	shalt  }
0x72: {  	_ =	shalt  }
0x73: {  	_ =	shalt  }
0x74: {  	_ =	shalt  }
0x75: {  	_ =	shalt  }
0x76: {  	_ =	shalt  }
0x77: {  	_ =	shalt  }
0x78: {  	_ =	shalt  }
0x79: {  	_ =	shalt  }
0x7a: {  	_ =	shalt  }
0x7b: {  	_ =	shalt  }
0x7c: {  	_ =	shalt  }
0x7d: {  	_ =	shalt  }
0x7e: {  	_ =	shalt  }
0x7f: {  	_ =	shalt  }
0x80: {  	_ =	shalt  }
0x81: {  	_ =	shalt  }
0x82: {  	_ =	shalt  }
0x83: {  	_ =	shalt  }
0x84: {  	_ =	shalt  }
0x85: {  	_ =	shalt  }
0x86: {  	_ =	shalt  }
0x87: {  	_ =	shalt  }
.Lfunc_end0:
.L_simem_size_0:
called_computation.1_lowered:
.L_overlay_start_0:
0x88: {  	s2 =	sld [smem:$0x3FD9]  }
0x89: {  	s3 =	sld [smem:$0x3FFE];
	_ =	sdelay $0x1  }
0x8a: {  	s1 =	srdreg.scid  }
0x8b: {  	s0 =	sand.u32 $0x1, s1  }
0x8c: {  	s17 =	sshll.u32 s0, $0xA;
	s2 =	sadd.s32 s3, s2  }
0x8d: {  	s2 =	sadd.s32 s2, s17  }
0x8e: {  	[smem:$0x3FC0] =	sst s2  }
0x8f: {  	_ = 	snop  }
0x90: {  	s2 =	sld [smem:$0x3FD0];
	(tm) =	ssettm $0x1  }
0x91: {  	s18 =	sld [smem:$0x3FFB];
	_ =	sdelay $0x3  }
0x92: {  	_ =	strace s18  }
0x93: {  	s3 =	sld [smem:$0x3FFC];
	_ =	sdelay $0x3  }
0x94: {  	_ =	strace s3  }
0x95: {  	s3 =	sld [smem:$0x3FFD];
	_ =	sdelay $0x3  }
0x96: {  	_ =	strace s3  }
0x97: {  	_ =	strace $0x8FFFFFFF  }
0x98: {  	s19 =	sld [smem:$0x3FDB];
	_ =	sdelay $0x1  }
0x99: {  	s4 =	simm.s32 $_scs_section_size  }
0x9a: {  	s5 =	simm.s32 $_size__tile_overlayer_lowered;
	s6 =	simm.s32 $_tile_overlayer_lowered  }
0x9b: {  	s22 =	simm.s32 $0x1BFF;
	s21 =	sshll.u32 s6, $0x1;
	s3 =	sadd.s32 s4, s19  }
0x9c: {  	s7 =	simm.s32 $0x0;
	s20 =	sshll.u32 s5, $0x1;
	s5 =	sadd.s32 s21, s3  }
0x9d: {  	[timem:s7], [sflag:s22] =	dma.local [hbm:s5], s20  }
0x9e: {  	_ =	swait.ge [sflag:s22], s20  }
0x9f: {  	s4 =	ssub.s32 $0x0, s20;
	[sflag:s22] =	ssyncset.done $0x0  }
0xa0: {  	[sflag:s22] =	ssyncadd.s32 s4;
	_ =	sdelay $0x1  }
0xa1: {  	s23 =	simm.s32 $0x1B8B  }
0xa2: {  	_ =	swait.ge [sflag:s23], $0x1  }
0xa3: {  	[sflag:s23] =	ssyncset.done $0x0  }
0xa4: {  	s25 =	simm.s32 $0x1B8E;
	s24 =	sld [smem:$0x3FFE];
	[sflag:s23] =	ssyncadd.s32 $0xFFFFFFFF  }
0xa5: {  	s26 =	simm.s32 $execute0_lowered;
	[smem:$0x3FD2] =	sst s25  }
0xa6: {  	s5 =	sshll.u32 s26, $0x1;
	_ =	strace $0x80000049;
	[dreg:$0x1] =	wrdreg $0xFFFFFFFF  }
0xa7: {  	s28 =	simm.s32 $_size_execute0_lowered;
	s3 =	sadd.s32 s3, s5;
	[dreg:$0x0] =	wrdreg $0x0  }
0xa8: {  	s5 =	sshll.u32 s28, $0x1;
	[dreg:$0x2] =	wrdreg s3  }
0xa9: {  	[dreg:$0x3] =	wrdreg s5  }
0xaa: {  	[dreg:$0x4] =	wrdreg $0xC0  }
0xab: {  	_ =	task [dreg:s7], $0x5FFFF  }
0xac: {  	[dreg:$0x1] =	wrdreg $0xFFFFFFFF  }
0xad: {  	[dreg:$0x0] =	wrdreg $0x60  }
0xae: {  	[dreg:$0x2] =	wrdreg s2  }
0xaf: {  	[dreg:$0x3] =	wrdreg s24  }
0xb0: {  	[dreg:$0x4] =	wrdreg $0xBF000  }
0xb1: {  	[dreg:$0x5] =	wrdreg $0x9  }
0xb2: {  	_ =	task.clear_ibuf [dreg:s7], $0x6FFFF;
	_ =	strace $0x90000049  }
0xb3: {  	s29 =	simm.s32 $0x9;
	_ =	strace $0x8000004B  }
0xb4: {  	_ =	swait.ge [sflag:s29], $0x1  }
0xb5: {  	[sflag:s29] =	ssyncadd.s32 $0xFFFFFFFF  }
0xb6: {  	_ =	strace $0x9000004B  }
0xb7: {  	_ =	sfence  }
0xb8: {  	s30 =	sld [smem:$0x0];
	_ =	sdelay $0x2  }
0xb9: {  	s31 =	sshll.u32 s1, $0xD;
	s1 =	sshrl.u32 s1, $0x2  }
0xba: {  	s3 =	sand.u32 $0x4000, s31;
	s1 =	sadd.s32 s1, s30  }
0xbb: {  	s0 =	sor.u32 s3, s0;
	s1 =	sshll.u32 s1, $0x11  }
0xbc: {  	s0 =	sor.u32 s1, s0  }
0xbd: {  	s0 =	sadd.s32 $0x8F2B, s0  }
0xbe: {  	[sflag:s0] =	ssyncadd.remote.s32 $0x1  }
0xbf: {  	_ =	sfence.sel $0xFFFF  }
0xc0: {  	[dreg:$0x0] =	wrdreg $0xFFFFFFFF;
	(pc) =	sbr.abs _section_cstart, $3  }
0xc1: {  	[dreg:$0x1] =	wrdreg $0xFFFFFFFF  }
0xc2: {  	_ =	task.clear_ibuf [dreg:s7], $0x2FFFF;
	_ =	strace $0x9FFFFFFF  }
0xc3: {  	(tm) =	ssettm $0x7FFFFFFF  }
tec
execute0_lowered:
.L_overlay_start_1:
0x0: {  	(tag) =	ssettag $0x1  }
0x1: {  	s1 =	rddreg [dreg:$0x0]  }
0x2: {  	s0 =	srdreg.scid;
	s2 =	rddreg [dreg:$0x1]  }
0x3: {  	s10 =	stileid.u32;
	s3 =	rddreg [dreg:$0x2]  }
0x4: {  	s5 =	simm.s32 $0x0;
	s29 =	simm.s32 $0x70;
	s30 =	simm.s32 $0x4F00  }
0x5: {  	s31 =	simm.s32 $0x1;
	s28 =	simm.s32 $0x8700;
	s0 =	sand.u32 $0x1, s0  }
0x6: {  	[smem:$0x7FF] =	sst s5;
	s8 =	smul.u32 $0x14000, s10;
	s5 =	sadd.s32 $0xC800, s2  }
0x7: {  	s25 =	sshll.u32 s10, $0x6;
	s26 =	smul.u32 $0x50000, s10;
	s4 =	sshll.u32 s0, $0x4  }
0x8: {  	s7 =	smul.u32 $0x140000, s0;
	_ =	strace $0x8000004A;
	s0 =	ssub.s32 $0x2, s0  }
0x9: {  	s4 =	sor.u32 s10, s4;
	s6 =	sshrl.u32 s0, $0x1;
	s10 =	sor.u32 $0x2800, s8  }
0xa: {  	s11 =	sadd.s32 $0x5000, s8;
	s12 =	sadd.s32 $0x7800, s8;
	s13 =	sadd.s32 $0xA000, s8  }
0xb: {  	s14 =	sadd.s32 $0xC800, s8;
	s16 =	sadd.s32 $0xF000, s8;
	s4 =	smul.u32 $0x4F0, s4  }
0xc: {  	s9 =	sadd.s32 s7, s8;
	s0 =	ssub.s32 s0, s6;
	s6 =	sor.u32 $0x1C03, s25  }
0xd: {  	s15 =	sadd.s32 s7, s10;
	s8 =	sadd.s32 $0x11800, s8;
	s18 =	sadd.s32 s7, s11  }
0xe: {  	s17 =	sadd.s32 s7, s12;
	s21 =	sadd.s32 s7, s14;
	s22 =	sadd.s32 s7, s16  }
0xf: {  	s25 =	sshrl.u32 s26, $0x2;
	s9 =	sshrl.u32 s9, $0x3;
	s15 =	sshrl.u32 s15, $0x3  }
0x10: {  	s17 =	sshrl.u32 s17, $0x3;
	s0 =	smax.u32 s0, $0x1;
	s26 =	sadd.s32 s25, s3  }
0x11: {  	s25 =	sadd.s32 s8, s3;
	s4 =	sadd.s32 s4, s2;
	[dreg:$0xe] =	wrdreg s0  }
0x12: {  	s2 =	sadd.s32 $0xCE00, s2;
	[dreg:$0xf] =	wrdreg s26;
	s26 =	simm.s32 $0x3  }
0x13: {  	s0 =	simm.s32 $0x2;
	s9 =	sadd.s32 s2, s9;
	s15 =	sadd.s32 s2, s15  }
0x14: {  	s19 =	sadd.s32 s2, s17;
	s17 =	sshrl.u32 s22, $0x3;
	[dreg:$0x4] =	wrdreg s9  }
0x15: {  	s24 =	sadd.s32 $0x5CE00, s4;
	s4 =	sadd.s32 $0x2A00, s4;
	[dreg:$0x5] =	wrdreg s15  }
0x16: {  	s22 =	sadd.s32 s13, s3;
	s15 =	sshrl.u32 s18, $0x3;
	[dreg:$0x7] =	wrdreg s19  }
0x17: {  	s18 =	sadd.s32 s7, s13;
	s7 =	sadd.s32 s7, s8;
	[dreg:$0xc] =	wrdreg s24  }
0x18: {  	s23 =	sadd.s32 s2, s17;
	[dreg:$0xd] =	wrdreg s4;
	s19 =	sadd.s32 s10, s3  }
0x19: {  	s15 =	sadd.s32 s2, s15;
	s20 =	sshrl.u32 s18, $0x3;
	[dreg:$0xa] =	wrdreg s23  }
0x1a: {  	s24 =	sadd.s32 s16, s3;
	[dreg:$0x6] =	wrdreg s15;
	s15 =	sadd.s32 s2, s20  }
0x1b: {  	s4 =	simm.s32 $0x0;
	[dreg:$0x8] =	wrdreg s15;
	s15 =	sshrl.u32 s21, $0x3  }
0x1c: {  	s7 =	sshrl.u32 s7, $0x3;
	s23 =	sadd.s32 s14, s3;
	s15 =	sadd.s32 s2, s15  }
0x1d: {  	s20 =	sadd.s32 s11, s3;
	s2 =	sadd.s32 s2, s7;
	[dreg:$0x9] =	wrdreg s15  }
0x1e: {  	s21 =	sadd.s32 s12, s3;
	[dreg:$0xb] =	wrdreg s2;
	s2 =	simm.s32 $0x20  }
.LBB2_1:
0x1f: {  	s7 =	rddreg [dreg:$0xf]  }
0x20: {  	s7 =	sshrl.u32 s7, $0x3  }
0x21: {  	[spmem:s7], [sflag:s6] =	dma.local [hbm:s5], $0x500  }
0x22: {  	_ =	swait.ge [sflag:s26], $0x500  }
0x23: {  	[sflag:s26] =	ssyncset.done $0x0  }
0x24: {  	s8 =	sshrl.u32 s19, $0x3;
	[sflag:s26] =	ssyncadd.s32 $0xFFFFFB00  }
0x25: {  	[spmem:s8], [sflag:s6] =	dma.local [hbm:s5], $0x500  }
0x26: {  	_ =	swait.ge [sflag:s26], $0x500  }
0x27: {  	[sflag:s26] =	ssyncset.done $0x0  }
0x28: {  	s9 =	sshrl.u32 s20, $0x3;
	[sflag:s26] =	ssyncadd.s32 $0xFFFFFB00  }
0x29: {  	[spmem:s9], [sflag:s6] =	dma.local [hbm:s5], $0x500  }
0x2a: {  	_ =	swait.ge [sflag:s26], $0x500  }
0x2b: {  	[sflag:s26] =	ssyncset.done $0x0  }
0x2c: {  	s10 =	sshrl.u32 s21, $0x3;
	[sflag:s26] =	ssyncadd.s32 $0xFFFFFB00  }
0x2d: {  	[spmem:s10], [sflag:s6] =	dma.local [hbm:s5], $0x500  }
0x2e: {  	_ =	swait.ge [sflag:s26], $0x500  }
0x2f: {  	[sflag:s26] =	ssyncset.done $0x0  }
0x30: {  	s11 =	sshrl.u32 s22, $0x3;
	[sflag:s26] =	ssyncadd.s32 $0xFFFFFB00  }
0x31: {  	[spmem:s11], [sflag:s6] =	dma.local [hbm:s5], $0x500  }
0x32: {  	_ =	swait.ge [sflag:s26], $0x500  }
0x33: {  	[sflag:s26] =	ssyncset.done $0x0  }
0x34: {  	s12 =	sshrl.u32 s23, $0x3;
	[sflag:s26] =	ssyncadd.s32 $0xFFFFFB00  }
0x35: {  	[spmem:s12], [sflag:s6] =	dma.local [hbm:s5], $0x500  }
0x36: {  	_ =	swait.ge [sflag:s26], $0x500  }
0x37: {  	[sflag:s26] =	ssyncset.done $0x0  }
0x38: {  	s13 =	sshrl.u32 s24, $0x3;
	[sflag:s26] =	ssyncadd.s32 $0xFFFFFB00  }
0x39: {  	[spmem:s13], [sflag:s6] =	dma.local [hbm:s5], $0x500  }
0x3a: {  	_ =	swait.ge [sflag:s26], $0x500  }
0x3b: {  	[sflag:s26] =	ssyncset.done $0x0  }
0x3c: {  	s14 =	sshrl.u32 s25, $0x3;
	[sflag:s26] =	ssyncadd.s32 $0xFFFFFB00  }
0x3d: {  	[spmem:s14], [sflag:s6] =	dma.local [hbm:s5], $0x500  }
0x3e: {  	_ =	swait.ge [sflag:s26], $0x500  }
0x3f: {  	[sflag:s26] =	ssyncset.done $0x0  }
0x40: {  	s15 =	simm.s32 $0x0;
	s16 =	rddreg [dreg:$0xc];
	[sflag:s26] =	ssyncadd.s32 $0xFFFFFB00  }
0x41: {  	[tilespmem:s15], [sflag:$0x3] =	stream.linear.gather [hbm4b:s16+s15], $0x2780, $0x38;
	[tilespmem:$0x1FF00] =	vst v63  }
0x42: {  	_ =	swait.ge [sflag:s26], $0x2780  }
0x43: {  	[sflag:s26] =	ssyncset.done $0x0  }
0x44: {  	s17 =	simm.s32 $0x2780;
	s18 =	rddreg [dreg:$0xd];
	[sflag:s26] =	ssyncadd.s32 $0xFFFFD880  }
0x45: {  	[tilespmem:s17], [sflag:$0x3] =	stream.linear.gather [hbm4b:s18+s15], $0x2780, $0x38;
	[tilespmem:$0x1FF00] =	vst v63  }
0x46: {  	_ =	swait.ge [sflag:s26], $0x2780  }
0x47: {  	[sflag:s26] =	ssyncset.done $0x0  }
0x48: {  	[sflag:s26] =	ssyncadd.s32 $0xFFFFD880  }
0x49: {  	s17 =	simm.s32 $0x0;
	[bflag:$0x0] =	sbarrier.arrive $0xFFFF  }
0x4a: {  	[tilespmem:s30], [sflag:$0x1] =	stream.indirect.gather [hbm4b:s1+s29], $0x80, s17, s29, $0xb8;
	[tilespmem:$0x1FF00] =	vst v63  }
0x4b: {  	_ =	swait.ge [sflag:s31], $0x3800  }
0x4c: {  	[sflag:s31] =	ssyncset.done $0x0  }
0x4d: {  	s18 =	simm.s32 $0x2780;
	[sflag:s31] =	ssyncadd.s32 $0xFFFFC800  }
0x4e: {  	[spmem:s3] =	stream.indirect.scatter.add.f32 [tilespmem:s30], [sflag:$0x3], $0x80, s18, s29, $0xb8;
	[tilespmem:$0x1FF00] =	vst v63  }
0x4f: {  	_ =	swait.ge [sflag:s26], $0x3800  }
0x50: {  	s16 =	simm.s32 $0x380;
	s15 =	simm.s32 $0x1C0;
	[sflag:s26] =	ssyncset.done $0x0  }
.LBB2_2:
0x51: {  	s17 =	sshra.s32 s15, $0x2  }
0x52: {  	[sflag:s26] =	ssyncadd.s32 $0xFFFFC800;
	s15 =	smov.u32 s16;
	s18 =	sadd.s32 $0x1C0, s16  }
0x53: {  	[tilespmem:s30], [sflag:$0x1] =	stream.indirect.gather [hbm4b:s1+s29], $0x80, s17, s29, $0xb8;
	[tilespmem:$0x1FF00] =	vst v63  }
0x54: {  	p0 =	sne.s32 s16, $0x9A00;
	_ =	swait.ge [sflag:s31], $0x3800  }
.Ltmp0:
0x55: {  	[sflag:s31] =	ssyncset.done $0x0;
	(pc) =	sbr.rel @p0 .LBB2_2-.Ltmp0, $4  }
0x56: {  	s16 =	sadd.s32 $0x2780, s17;
	[sflag:s31] =	ssyncadd.s32 $0xFFFFC800  }
0x57: {  	[spmem:s3] =	stream.indirect.scatter.add.f32 [tilespmem:s30], [sflag:$0x3], $0x80, s16, s29, $0xb8;
	[tilespmem:$0x1FF00] =	vst v63  }
0x58: {  	_ =	swait.ge [sflag:s26], $0x3800  }
0x59: {  	s16 =	smov.u32 s18;
	[sflag:s26] =	ssyncset.done $0x0  }
0x5a: {  	s15 =	sshra.s32 s15, $0x2;
	[sflag:s26] =	ssyncadd.s32 $0xFFFFC800  }
0x5b: {  	[tilespmem:s30], [sflag:$0x1] =	stream.indirect.gather [hbm4b:s1+s29], $0x80, s15, s29, $0xb8;
	[tilespmem:$0x1FF00] =	vst v63  }
0x5c: {  	_ =	swait.ge [sflag:s31], $0x3800  }
0x5d: {  	[sflag:s31] =	ssyncset.done $0x0  }
0x5e: {  	s15 =	sadd.s32 $0x2780, s15;
	[sflag:s31] =	ssyncadd.s32 $0xFFFFC800  }
0x5f: {  	[spmem:s3] =	stream.indirect.scatter.add.f32 [tilespmem:s30], [sflag:$0x3], $0x80, s15, s29, $0xb8;
	[tilespmem:$0x1FF00] =	vst v63  }
0x60: {  	_ =	swait.ge [sflag:s26], $0x3800  }
0x61: {  	[sflag:s26] =	ssyncset.done $0x0  }
0x62: {  	s18 =	simm.s32 $0x26F0;
	[sflag:s26] =	ssyncadd.s32 $0xFFFFC800  }
0x63: {  	[tilespmem:s28], [sflag:$0x2] =	stream.indirect.gather [hbm4b:s1+s2], $0x80, s18, s2, $0xb8;
	[tilespmem:$0x1FF00] =	vst v63  }
0x64: {  	_ =	swait.ge [sflag:s0], $0x1000  }
0x65: {  	[sflag:s0] =	ssyncset.done $0x0  }
0x66: {  	s16 =	simm.s32 $0x4E70;
	[sflag:s0] =	ssyncadd.s32 $0xFFFFF000  }
0x67: {  	[spmem:s3] =	stream.indirect.scatter.add.f32 [tilespmem:s28], [sflag:$0x3], $0x80, s16, s2, $0xb8;
	[tilespmem:$0x1FF00] =	vst v63  }
0x68: {  	_ =	swait.ge [sflag:s26], $0x1000  }
0x69: {  	[sflag:s26] =	ssyncset.done $0x0  }
0x6a: {  	[sflag:s26] =	ssyncadd.s32 $0xFFFFF000  }
0x6b: {  	[bflag:$0x0] =	sbarrier.arrive $0xFFFF  }
0x6c: {  	s17 =	rddreg [dreg:$0x4]  }
0x6d: {  	[hbm:s17], [sflag:s6] =	dma.local [spmem:s7], $0x500  }
0x6e: {  	_ =	swait.ge [sflag:s26], $0x500  }
0x6f: {  	[sflag:s26] =	ssyncset.done $0x0  }
0x70: {  	s18 =	rddreg [dreg:$0x5];
	[sflag:s26] =	ssyncadd.s32 $0xFFFFFB00  }
0x71: {  	[hbm:s18], [sflag:s6] =	dma.local [spmem:s8], $0x500  }
0x72: {  	_ =	swait.ge [sflag:s26], $0x500  }
0x73: {  	[sflag:s26] =	ssyncset.done $0x0  }
0x74: {  	s8 =	rddreg [dreg:$0x6];
	[sflag:s26] =	ssyncadd.s32 $0xFFFFFB00  }
0x75: {  	[hbm:s8], [sflag:s6] =	dma.local [spmem:s9], $0x500  }
0x76: {  	_ =	swait.ge [sflag:s26], $0x500  }
0x77: {  	[sflag:s26] =	ssyncset.done $0x0  }
0x78: {  	s9 =	rddreg [dreg:$0x7];
	[sflag:s26] =	ssyncadd.s32 $0xFFFFFB00  }
0x79: {  	[hbm:s9], [sflag:s6] =	dma.local [spmem:s10], $0x500  }
0x7a: {  	_ =	swait.ge [sflag:s26], $0x500  }
0x7b: {  	[sflag:s26] =	ssyncset.done $0x0  }
0x7c: {  	s10 =	rddreg [dreg:$0x8];
	[sflag:s26] =	ssyncadd.s32 $0xFFFFFB00  }
0x7d: {  	[hbm:s10], [sflag:s6] =	dma.local [spmem:s11], $0x500  }
0x7e: {  	_ =	swait.ge [sflag:s26], $0x500  }
0x7f: {  	[sflag:s26] =	ssyncset.done $0x0  }
0x80: {  	s15 =	rddreg [dreg:$0x9];
	[sflag:s26] =	ssyncadd.s32 $0xFFFFFB00  }
0x81: {  	[hbm:s15], [sflag:s6] =	dma.local [spmem:s12], $0x500  }
0x82: {  	_ =	swait.ge [sflag:s26], $0x500  }
0x83: {  	[sflag:s26] =	ssyncset.done $0x0  }
0x84: {  	s16 =	rddreg [dreg:$0xa];
	[sflag:s26] =	ssyncadd.s32 $0xFFFFFB00  }
0x85: {  	[hbm:s16], [sflag:s6] =	dma.local [spmem:s13], $0x500  }
0x86: {  	_ =	swait.ge [sflag:s26], $0x500  }
0x87: {  	[sflag:s26] =	ssyncset.done $0x0  }
0x88: {  	s17 =	rddreg [dreg:$0xb];
	[sflag:s26] =	ssyncadd.s32 $0xFFFFFB00  }
0x89: {  	[hbm:s17], [sflag:s6] =	dma.local [spmem:s14], $0x500  }
0x8a: {  	_ =	swait.ge [sflag:s26], $0x500  }
0x8b: {  	s4 =	sadd.s32 $0x1, s4;
	s18 =	rddreg [dreg:$0xe]  }
0x8c: {  	p0 =	sne.s32 s4, s18  }
.Ltmp1:
0x8d: {  	_ = 	snop;
	(pc) =	sbr.rel @p0 .LBB2_1-.Ltmp1, $3  }
0x8e: {  	_ =	sdelay $0x1  }
0x8f: {  	[sflag:s26] =	ssyncset.done $0x0  }
0x90: {  	[sflag:s26] =	ssyncadd.s32 $0xFFFFFB00  }
0x91: {  	_ =	sfence.sel $0x180000  }
0x92: {  	[bflag:$0x0] =	sbarrier.arrive $0xFFFF  }
0x93: {  	_ =	strace $0x9000004A  }
0x94: {  	s0 =	stileid.u32;
	[bflag:$0x2] =	sbarrier.arrive $0xFFFF  }
0x95: {  	p0 =	sne.s32 s0, $0x0;
	s0 =	rddreg [dreg:$0x3]  }
0x96: {  	s0 =	sadd.s32 @!p0 $0x100000, s0  }
0x97: {  	[sflag:s0] =	ssyncadd.tile.s32 @!p0 $0x1;
	_ =	shalt  }
.Lfunc_end2:
_tile_overlayer_lowered:
.L_overlay_start_2:
0x98: {  	(tag) =	ssettag $0x2  }
0x99: {  	s0 =	rddreg [dreg:$0x0];
	s2 =	stileid.u32  }
0x9a: {  	s1 =	rddreg [dreg:$0x1];
	p0 =	sne.s32 s2, $0x0  }
0x9b: {  	s3 =	rddreg [dreg:$0x2];
	[bflag:$0x3] =	sbarrier.arrive $0xFFFF;
	s2 =	simm.s32 @!p0 $0x1C03  }
0x9c: {  	[timem:s3], [sflag:s2] =	dma.local @!p0 [hbm:s0], s1  }
0x9d: {  	s0 =	simm.s32 @!p0 $0x3  }
0x9e: {  	_ =	swait.ge @!p0 [sflag:s0], s1  }
0x9f: {  	s1 =	ssub.s32 @!p0 $0x0, s1;
	[sflag:s0] =	ssyncset.done @!p0 $0x0  }
0xa0: {  	[sflag:s0] =	ssyncadd.s32 @!p0 s1  }
0xa1: {  	[bflag:$0x3] =	sbarrier.arrive $0xFFFF  }
0xa2: {  	_ =	shalt  }

// kernel: kernel.16.cloned.1.call-start
scs
__scs_entry_jumppad:
0x0: {  	(pc) =	sbr.rel $0x88, $3  }
0x1: {  	(tag) =	ssettag $0x0;
	lr =	simm.s32 $0x1  }
0x2: {  	[smem:$0x3F99] =	sst lr;
	_ =	strace $0xD0000000  }
0x3: {  	_ = 	snop  }
0x4: {  	_ = 	snop  }
0x5: {  	_ = 	snop  }
0x6: {  	_ = 	snop  }
0x7: {  	_ = 	snop  }
__scs_overlays_trampoline_lowered:
0x8: {  	[smem:$0x3FA8] =	sst s0  }
0x9: {  	[smem:$0x3FA9] =	sst s1  }
0xa: {  	[smem:$0x3FAA] =	sst s2  }
0xb: {  	[smem:$0x3FAB] =	sst s3  }
0xc: {  	[smem:$0x3FAC] =	sst s4  }
0xd: {  	[smem:$0x3FAD] =	sst s5  }
0xe: {  	[smem:$0x3FAE] =	sst s6  }
0xf: {  	[smem:$0x3FAF] =	sst s7  }
0x10: {  	[smem:$0x3FB0] =	sst s8  }
0x11: {  	[smem:$0x3FB1] =	sst s9;
	s0 =	simm.s32 @!p0 $0x0  }
0x12: {  	s1 =	sld [smem:$0x3F97];
	s0 =	simm.s32 @p0 $0x1  }
0x13: {  	[smem:$0x3FB2] =	sst s0;
	s0 =	simm.s32 @!p1 $0x0  }
0x14: {  	s2 =	sld [smem:$0x3F96];
	s0 =	simm.s32 @p1 $0x1  }
0x15: {  	[smem:$0x3FB3] =	sst s0;
	s0 =	simm.s32 @!p2 $0x0  }
0x16: {  	s3 =	sld [smem:$0x3FDB];
	s0 =	simm.s32 @p2 $0x1  }
0x17: {  	s4 =	simm.s32 $0x1BF5;
	[smem:$0x3FB5] =	sst s0  }
0x18: {  	s0 =	sld [smem:$0x3F98];
	_ =	swait.ge [sflag:s4], $0x0  }
0x19: {  	s7 =	sld [smem:$0x3F99]  }
0x1a: {  	s8 =	sadd.s32 $0xFFFFE003, lr  }
0x1b: {  	s9 =	sadd.s32 $0xFFFFFEF7, lr;
	s5 =	simm.s32 $0xFFFFFFFF;
	p2 =	slt.u32 s8, $0xFFFFF086  }
0x1c: {  	p1 =	slt.u32 s9, $0xF7A;
	s5 =	simm.s32 @!p2 $0x0  }
0x1d: {  	s5 =	simm.s32 @p1 $0x1;
	p0 =	seq.s32 s7, s2  }
0x1e: {  	s7 =	smul.u32 @!p0 $0xF7A, s2;
	p2 =	seq.s32 @!p0 s5, $0x0  }
0x1f: {  	s9 =	smul.u32 $0xF7A, s1;
	s8 =	simm.s32 @!p0 $0x1BF5;
	p2 =	por !p2, p0  }
0x20: {  	[sflag:s8] =	ssyncset.s32 @!p0 $0xFFFFF086;
	s6 =	sadd.s32 @!p0 s3, s7;
	s7 =	simm.s32 @!p0 $0x108  }
0x21: {  	s3 =	sadd.s32 s3, s9;
	s6 =	sadd.s32 @!p0 $0x88, s6;
	s7 =	simm.s32 @p2 $0x1082  }
0x22: {  	[simem:s7], [sflag:s8] =	dma.local @!p0 [hbm:s6], $0xF7A  }
0x23: {  	s9 =	sor.u32 $0xD0000000, s2;
	s6 =	simm.s32 $0x108;
	_ =	swait.ge @!p0 [sflag:s8], $0x0  }
0x24: {  	s3 =	sadd.s32 $0x88, s3;
	s6 =	simm.s32 @!p1 $0x1082;
	[sflag:s4] =	ssyncset.s32 $0xFFFFF086  }
0x25: {  	[simem:s6], [sflag:s4] =	dma.local [hbm:s3], $0xF7A  }
0x26: {  	[smem:$0x3F99] =	sst s1;
	(tag) =	ssettag s2;
	_ =	strace s9  }
0x27: {  	s1 =	sld [smem:$0x3FA9]  }
0x28: {  	s2 =	sld [smem:$0x3FAA]  }
0x29: {  	s4 =	sld [smem:$0x3FAC]  }
0x2a: {  	p0 =	seq.s32 s5, $0x0;
	s5 =	sld [smem:$0x3FAD]  }
0x2b: {  	s6 =	sld [smem:$0x3FAE]  }
0x2c: {  	s7 =	sld [smem:$0x3FAF]  }
0x2d: {  	s3 =	simm.s32 $0x108;
	s8 =	sld [smem:$0x3FB0]  }
0x2e: {  	s3 =	simm.s32 @!p0 $0x1082;
	s9 =	sld [smem:$0x3FB1]  }
0x2f: {  	lr =	sadd.s32 s0, s3;
	s0 =	sld [smem:$0x3FA8]  }
0x30: {  	s3 =	sld [smem:$0x3FAB]  }
0x31: {  	[smem:$0x3FB4] =	sst s10  }
0x32: {  	s10 =	sld [smem:$0x3FB2];
	_ =	sdelay $0x3  }
0x33: {  	p0 =	seq.s32 s10, $0x1;
	s10 =	sld [smem:$0x3FB4];
	_ =	sdelay $0x3  }
0x34: {  	[smem:$0x3FB4] =	sst s10  }
0x35: {  	s10 =	sld [smem:$0x3FB3];
	_ =	sdelay $0x3  }
0x36: {  	p1 =	seq.s32 s10, $0x1;
	s10 =	sld [smem:$0x3FB4];
	_ =	sdelay $0x3  }
0x37: {  	[smem:$0x3FB4] =	sst s10  }
0x38: {  	s10 =	sld [smem:$0x3FB5]  }
0x39: {  	_ = 	snop;
	(pc) =	sbr.ind lr, $3  }
0x3a: {  	_ = 	snop  }
0x3b: {  	_ = 	snop  }
0x3c: {  	p2 =	seq.s32 s10, $0x1;
	s10 =	sld [smem:$0x3FB4]  }
0x3d: {  	_ =	shalt  }
0x3e: {  	_ =	shalt  }
0x3f: {  	_ =	shalt  }
0x40: {  	_ =	shalt  }
0x41: {  	_ =	shalt  }
0x42: {  	_ =	shalt  }
0x43: {  	_ =	shalt  }
0x44: {  	_ =	shalt  }
0x45: {  	_ =	shalt  }
0x46: {  	_ =	shalt  }
0x47: {  	_ =	shalt  }
0x48: {  	_ =	shalt  }
0x49: {  	_ =	shalt  }
0x4a: {  	_ =	shalt  }
0x4b: {  	_ =	shalt  }
0x4c: {  	_ =	shalt  }
0x4d: {  	_ =	shalt  }
0x4e: {  	_ =	shalt  }
0x4f: {  	_ =	shalt  }
0x50: {  	_ =	shalt  }
0x51: {  	_ =	shalt  }
0x52: {  	_ =	shalt  }
0x53: {  	_ =	shalt  }
0x54: {  	_ =	shalt  }
0x55: {  	_ =	shalt  }
0x56: {  	_ =	shalt  }
0x57: {  	_ =	shalt  }
0x58: {  	_ =	shalt  }
0x59: {  	_ =	shalt  }
0x5a: {  	_ =	shalt  }
0x5b: {  	_ =	shalt  }
0x5c: {  	_ =	shalt  }
0x5d: {  	_ =	shalt  }
0x5e: {  	_ =	shalt  }
0x5f: {  	_ =	shalt  }
0x60: {  	_ =	shalt  }
0x61: {  	_ =	shalt  }
0x62: {  	_ =	shalt  }
0x63: {  	_ =	shalt  }
0x64: {  	_ =	shalt  }
0x65: {  	_ =	shalt  }
0x66: {  	_ =	shalt  }
0x67: {  	_ =	shalt  }
0x68: {  	_ =	shalt  }
0x69: {  	_ =	shalt  }
0x6a: {  	_ =	shalt  }
0x6b: {  	_ =	shalt  }
0x6c: {  	_ =	shalt  }
0x6d: {  	_ =	shalt  }
0x6e: {  	_ =	shalt  }
0x6f: {  	_ =	shalt  }
0x70: {  	_ =	shalt  }
0x71: {  	_ =	shalt  }
0x72: {  	_ =	shalt  }
0x73: {  	_ =	shalt  }
0x74: {  	_ =	shalt  }
0x75: {  	_ =	shalt  }
0x76: {  	_ =	shalt  }
0x77: {  	_ =	shalt  }
0x78: {  	_ =	shalt  }
0x79: {  	_ =	shalt  }
0x7a: {  	_ =	shalt  }
0x7b: {  	_ =	shalt  }
0x7c: {  	_ =	shalt  }
0x7d: {  	_ =	shalt  }
0x7e: {  	_ =	shalt  }
0x7f: {  	_ =	shalt  }
0x80: {  	_ =	shalt  }
0x81: {  	_ =	shalt  }
0x82: {  	_ =	shalt  }
0x83: {  	_ =	shalt  }
0x84: {  	_ =	shalt  }
0x85: {  	_ =	shalt  }
0x86: {  	_ =	shalt  }
0x87: {  	_ =	shalt  }
.Lfunc_end0:
.L_simem_size_0:
called_computation.2_lowered:
.L_overlay_start_0:
0x88: {  	s2 =	sld [smem:$0x3FD9]  }
0x89: {  	s3 =	sld [smem:$0x3FFE];
	_ =	sdelay $0x1  }
0x8a: {  	s1 =	srdreg.scid  }
0x8b: {  	s0 =	sand.u32 $0x1, s1  }
0x8c: {  	s17 =	sshll.u32 s0, $0xA;
	s2 =	sadd.s32 s3, s2  }
0x8d: {  	s2 =	sadd.s32 s2, s17  }
0x8e: {  	[smem:$0x3FC0] =	sst s2  }
0x8f: {  	_ = 	snop  }
0x90: {  	s2 =	sld [smem:$0x3FD0];
	(tm) =	ssettm $0x1  }
0x91: {  	s18 =	sld [smem:$0x3FFB];
	_ =	sdelay $0x3  }
0x92: {  	_ =	strace s18  }
0x93: {  	s3 =	sld [smem:$0x3FFC];
	_ =	sdelay $0x3  }
0x94: {  	_ =	strace s3  }
0x95: {  	s3 =	sld [smem:$0x3FFD];
	_ =	sdelay $0x3  }
0x96: {  	_ =	strace s3  }
0x97: {  	_ =	strace $0x8FFFFFFF  }
0x98: {  	s19 =	sld [smem:$0x3FDB];
	_ =	sdelay $0x1  }
0x99: {  	s4 =	simm.s32 $_scs_section_size  }
0x9a: {  	s5 =	simm.s32 $_size__tile_overlayer_lowered;
	s6 =	simm.s32 $_tile_overlayer_lowered  }
0x9b: {  	s22 =	simm.s32 $0x1BFF;
	s21 =	sshll.u32 s6, $0x1;
	s3 =	sadd.s32 s4, s19  }
0x9c: {  	s7 =	simm.s32 $0x0;
	s20 =	sshll.u32 s5, $0x1;
	s5 =	sadd.s32 s21, s3  }
0x9d: {  	[timem:s7], [sflag:s22] =	dma.local [hbm:s5], s20  }
0x9e: {  	_ =	swait.ge [sflag:s22], s20  }
0x9f: {  	s4 =	ssub.s32 $0x0, s20;
	[sflag:s22] =	ssyncset.done $0x0  }
0xa0: {  	[sflag:s22] =	ssyncadd.s32 s4;
	_ =	sdelay $0x1  }
0xa1: {  	s23 =	simm.s32 $0x1B8B  }
0xa2: {  	_ =	swait.ge [sflag:s23], $0x1  }
0xa3: {  	[sflag:s23] =	ssyncset.done $0x0  }
0xa4: {  	s25 =	simm.s32 $0x1B8E;
	s24 =	sld [smem:$0x3FFE];
	[sflag:s23] =	ssyncadd.s32 $0xFFFFFFFF  }
0xa5: {  	s26 =	simm.s32 $execute0_lowered;
	[smem:$0x3FD2] =	sst s25  }
0xa6: {  	s5 =	sshll.u32 s26, $0x1;
	_ =	strace $0x8000004C;
	[dreg:$0x1] =	wrdreg $0xFFFFFFFF  }
0xa7: {  	s28 =	simm.s32 $_size_execute0_lowered;
	s3 =	sadd.s32 s3, s5;
	[dreg:$0x0] =	wrdreg $0x0  }
0xa8: {  	s5 =	sshll.u32 s28, $0x1;
	[dreg:$0x2] =	wrdreg s3  }
0xa9: {  	[dreg:$0x3] =	wrdreg s5  }
0xaa: {  	[dreg:$0x4] =	wrdreg $0xC0  }
0xab: {  	_ =	task [dreg:s7], $0x5FFFF  }
0xac: {  	[dreg:$0x1] =	wrdreg $0xFFFFFFFF  }
0xad: {  	[dreg:$0x0] =	wrdreg $0x60  }
0xae: {  	[dreg:$0x2] =	wrdreg s2  }
0xaf: {  	[dreg:$0x3] =	wrdreg s24  }
0xb0: {  	[dreg:$0x4] =	wrdreg $0xBF000  }
0xb1: {  	[dreg:$0x5] =	wrdreg $0x9  }
0xb2: {  	_ =	task.clear_ibuf [dreg:s7], $0x6FFFF;
	_ =	strace $0x9000004C  }
0xb3: {  	s29 =	simm.s32 $0x9;
	_ =	strace $0x8000004E  }
0xb4: {  	_ =	swait.ge [sflag:s29], $0x1  }
0xb5: {  	[sflag:s29] =	ssyncadd.s32 $0xFFFFFFFF  }
0xb6: {  	_ =	strace $0x9000004E  }
0xb7: {  	_ =	sfence  }
0xb8: {  	s30 =	sld [smem:$0x0];
	_ =	sdelay $0x2  }
0xb9: {  	s31 =	sshll.u32 s1, $0xD;
	s1 =	sshrl.u32 s1, $0x2  }
0xba: {  	s3 =	sand.u32 $0x4000, s31;
	s1 =	sadd.s32 s1, s30  }
0xbb: {  	s0 =	sor.u32 s3, s0;
	s1 =	sshll.u32 s1, $0x11  }
0xbc: {  	s0 =	sor.u32 s1, s0  }
0xbd: {  	s0 =	sadd.s32 $0x8F2B, s0  }
0xbe: {  	[sflag:s0] =	ssyncadd.remote.s32 $0x1  }
0xbf: {  	_ =	sfence.sel $0xFFFF  }
0xc0: {  	[dreg:$0x0] =	wrdreg $0xFFFFFFFF;
	(pc) =	sbr.abs _section_cstart, $3  }
0xc1: {  	[dreg:$0x1] =	wrdreg $0xFFFFFFFF  }
0xc2: {  	_ =	task.clear_ibuf [dreg:s7], $0x2FFFF;
	_ =	strace $0x9FFFFFFF  }
0xc3: {  	(tm) =	ssettm $0x7FFFFFFF  }
tec
execute0_lowered:
.L_overlay_start_1:
0x0: {  	(tag) =	ssettag $0x1  }
0x1: {  	s1 =	rddreg [dreg:$0x0]  }
0x2: {  	s0 =	srdreg.scid;
	s2 =	rddreg [dreg:$0x1]  }
0x3: {  	s10 =	stileid.u32;
	s3 =	rddreg [dreg:$0x2]  }
0x4: {  	s5 =	simm.s32 $0x0;
	s29 =	simm.s32 $0x70;
	s30 =	simm.s32 $0x4F00  }
0x5: {  	s31 =	simm.s32 $0x1;
	s28 =	simm.s32 $0x8700;
	s0 =	sand.u32 $0x1, s0  }
0x6: {  	[smem:$0x7FF] =	sst s5;
	s8 =	smul.u32 $0x14000, s10;
	s5 =	sadd.s32 $0xC800, s2  }
0x7: {  	s25 =	sshll.u32 s10, $0x6;
	s26 =	smul.u32 $0x50000, s10;
	s4 =	sshll.u32 s0, $0x4  }
0x8: {  	s7 =	smul.u32 $0x140000, s0;
	_ =	strace $0x8000004D;
	s0 =	ssub.s32 $0x2, s0  }
0x9: {  	s4 =	sor.u32 s10, s4;
	s6 =	sshrl.u32 s0, $0x1;
	s10 =	sor.u32 $0x2800, s8  }
0xa: {  	s11 =	sadd.s32 $0x5000, s8;
	s12 =	sadd.s32 $0x7800, s8;
	s13 =	sadd.s32 $0xA000, s8  }
0xb: {  	s14 =	sadd.s32 $0xC800, s8;
	s16 =	sadd.s32 $0xF000, s8;
	s4 =	smul.u32 $0x4F0, s4  }
0xc: {  	s9 =	sadd.s32 s7, s8;
	s0 =	ssub.s32 s0, s6;
	s6 =	sor.u32 $0x1C03, s25  }
0xd: {  	s15 =	sadd.s32 s7, s10;
	s8 =	sadd.s32 $0x11800, s8;
	s18 =	sadd.s32 s7, s11  }
0xe: {  	s17 =	sadd.s32 s7, s12;
	s21 =	sadd.s32 s7, s14;
	s22 =	sadd.s32 s7, s16  }
0xf: {  	s25 =	sshrl.u32 s26, $0x2;
	s9 =	sshrl.u32 s9, $0x3;
	s15 =	sshrl.u32 s15, $0x3  }
0x10: {  	s17 =	sshrl.u32 s17, $0x3;
	s0 =	smax.u32 s0, $0x1;
	s26 =	sadd.s32 s25, s3  }
0x11: {  	s25 =	sadd.s32 s8, s3;
	s4 =	sadd.s32 s4, s2;
	[dreg:$0xe] =	wrdreg s0  }
0x12: {  	s2 =	sadd.s32 $0xCE00, s2;
	[dreg:$0xf] =	wrdreg s26;
	s26 =	simm.s32 $0x3  }
0x13: {  	s0 =	simm.s32 $0x2;
	s9 =	sadd.s32 s2, s9;
	s15 =	sadd.s32 s2, s15  }
0x14: {  	s19 =	sadd.s32 s2, s17;
	s17 =	sshrl.u32 s22, $0x3;
	[dreg:$0x4] =	wrdreg s9  }
0x15: {  	s24 =	sadd.s32 $0x5CE00, s4;
	s4 =	sadd.s32 $0x2A00, s4;
	[dreg:$0x5] =	wrdreg s15  }
0x16: {  	s22 =	sadd.s32 s13, s3;
	s15 =	sshrl.u32 s18, $0x3;
	[dreg:$0x7] =	wrdreg s19  }
0x17: {  	s18 =	sadd.s32 s7, s13;
	s7 =	sadd.s32 s7, s8;
	[dreg:$0xc] =	wrdreg s24  }
0x18: {  	s23 =	sadd.s32 s2, s17;
	[dreg:$0xd] =	wrdreg s4;
	s19 =	sadd.s32 s10, s3  }
0x19: {  	s15 =	sadd.s32 s2, s15;
	s20 =	sshrl.u32 s18, $0x3;
	[dreg:$0xa] =	wrdreg s23  }
0x1a: {  	s24 =	sadd.s32 s16, s3;
	[dreg:$0x6] =	wrdreg s15;
	s15 =	sadd.s32 s2, s20  }
0x1b: {  	s4 =	simm.s32 $0x0;
	[dreg:$0x8] =	wrdreg s15;
	s15 =	sshrl.u32 s21, $0x3  }
0x1c: {  	s7 =	sshrl.u32 s7, $0x3;
	s23 =	sadd.s32 s14, s3;
	s15 =	sadd.s32 s2, s15  }
0x1d: {  	s20 =	sadd.s32 s11, s3;
	s2 =	sadd.s32 s2, s7;
	[dreg:$0x9] =	wrdreg s15  }
0x1e: {  	s21 =	sadd.s32 s12, s3;
	[dreg:$0xb] =	wrdreg s2;
	s2 =	simm.s32 $0x20  }
.LBB2_1:
0x1f: {  	s7 =	rddreg [dreg:$0xf]  }
0x20: {  	s7 =	sshrl.u32 s7, $0x3  }
0x21: {  	[spmem:s7], [sflag:s6] =	dma.local [hbm:s5], $0x500  }
0x22: {  	_ =	swait.ge [sflag:s26], $0x500  }
0x23: {  	[sflag:s26] =	ssyncset.done $0x0  }
0x24: {  	s8 =	sshrl.u32 s19, $0x3;
	[sflag:s26] =	ssyncadd.s32 $0xFFFFFB00  }
0x25: {  	[spmem:s8], [sflag:s6] =	dma.local [hbm:s5], $0x500  }
0x26: {  	_ =	swait.ge [sflag:s26], $0x500  }
0x27: {  	[sflag:s26] =	ssyncset.done $0x0  }
0x28: {  	s9 =	sshrl.u32 s20, $0x3;
	[sflag:s26] =	ssyncadd.s32 $0xFFFFFB00  }
0x29: {  	[spmem:s9], [sflag:s6] =	dma.local [hbm:s5], $0x500  }
0x2a: {  	_ =	swait.ge [sflag:s26], $0x500  }
0x2b: {  	[sflag:s26] =	ssyncset.done $0x0  }
0x2c: {  	s10 =	sshrl.u32 s21, $0x3;
	[sflag:s26] =	ssyncadd.s32 $0xFFFFFB00  }
0x2d: {  	[spmem:s10], [sflag:s6] =	dma.local [hbm:s5], $0x500  }
0x2e: {  	_ =	swait.ge [sflag:s26], $0x500  }
0x2f: {  	[sflag:s26] =	ssyncset.done $0x0  }
0x30: {  	s11 =	sshrl.u32 s22, $0x3;
	[sflag:s26] =	ssyncadd.s32 $0xFFFFFB00  }
0x31: {  	[spmem:s11], [sflag:s6] =	dma.local [hbm:s5], $0x500  }
0x32: {  	_ =	swait.ge [sflag:s26], $0x500  }
0x33: {  	[sflag:s26] =	ssyncset.done $0x0  }
0x34: {  	s12 =	sshrl.u32 s23, $0x3;
	[sflag:s26] =	ssyncadd.s32 $0xFFFFFB00  }
0x35: {  	[spmem:s12], [sflag:s6] =	dma.local [hbm:s5], $0x500  }
0x36: {  	_ =	swait.ge [sflag:s26], $0x500  }
0x37: {  	[sflag:s26] =	ssyncset.done $0x0  }
0x38: {  	s13 =	sshrl.u32 s24, $0x3;
	[sflag:s26] =	ssyncadd.s32 $0xFFFFFB00  }
0x39: {  	[spmem:s13], [sflag:s6] =	dma.local [hbm:s5], $0x500  }
0x3a: {  	_ =	swait.ge [sflag:s26], $0x500  }
0x3b: {  	[sflag:s26] =	ssyncset.done $0x0  }
0x3c: {  	s14 =	sshrl.u32 s25, $0x3;
	[sflag:s26] =	ssyncadd.s32 $0xFFFFFB00  }
0x3d: {  	[spmem:s14], [sflag:s6] =	dma.local [hbm:s5], $0x500  }
0x3e: {  	_ =	swait.ge [sflag:s26], $0x500  }
0x3f: {  	[sflag:s26] =	ssyncset.done $0x0  }
0x40: {  	s15 =	simm.s32 $0x0;
	s16 =	rddreg [dreg:$0xc];
	[sflag:s26] =	ssyncadd.s32 $0xFFFFFB00  }
0x41: {  	[tilespmem:s15], [sflag:$0x3] =	stream.linear.gather [hbm4b:s16+s15], $0x2780, $0x38;
	[tilespmem:$0x1FF00] =	vst v63  }
0x42: {  	_ =	swait.ge [sflag:s26], $0x2780  }
0x43: {  	[sflag:s26] =	ssyncset.done $0x0  }
0x44: {  	s17 =	simm.s32 $0x2780;
	s18 =	rddreg [dreg:$0xd];
	[sflag:s26] =	ssyncadd.s32 $0xFFFFD880  }
0x45: {  	[tilespmem:s17], [sflag:$0x3] =	stream.linear.gather [hbm4b:s18+s15], $0x2780, $0x38;
	[tilespmem:$0x1FF00] =	vst v63  }
0x46: {  	_ =	swait.ge [sflag:s26], $0x2780  }
0x47: {  	[sflag:s26] =	ssyncset.done $0x0  }
0x48: {  	[sflag:s26] =	ssyncadd.s32 $0xFFFFD880  }
0x49: {  	s17 =	simm.s32 $0x0;
	[bflag:$0x0] =	sbarrier.arrive $0xFFFF  }
0x4a: {  	[tilespmem:s30], [sflag:$0x1] =	stream.indirect.gather [hbm4b:s1+s29], $0x80, s17, s29, $0xb8;
	[tilespmem:$0x1FF00] =	vst v63  }
0x4b: {  	_ =	swait.ge [sflag:s31], $0x3800  }
0x4c: {  	[sflag:s31] =	ssyncset.done $0x0  }
0x4d: {  	s18 =	simm.s32 $0x2780;
	[sflag:s31] =	ssyncadd.s32 $0xFFFFC800  }
0x4e: {  	[spmem:s3] =	stream.indirect.scatter.add.f32 [tilespmem:s30], [sflag:$0x3], $0x80, s18, s29, $0xb8;
	[tilespmem:$0x1FF00] =	vst v63  }
0x4f: {  	_ =	swait.ge [sflag:s26], $0x3800  }
0x50: {  	s16 =	simm.s32 $0x380;
	s15 =	simm.s32 $0x1C0;
	[sflag:s26] =	ssyncset.done $0x0  }
.LBB2_2:
0x51: {  	s17 =	sshra.s32 s15, $0x2  }
0x52: {  	[sflag:s26] =	ssyncadd.s32 $0xFFFFC800;
	s15 =	smov.u32 s16;
	s18 =	sadd.s32 $0x1C0, s16  }
0x53: {  	[tilespmem:s30], [sflag:$0x1] =	stream.indirect.gather [hbm4b:s1+s29], $0x80, s17, s29, $0xb8;
	[tilespmem:$0x1FF00] =	vst v63  }
0x54: {  	p0 =	sne.s32 s16, $0x9A00;
	_ =	swait.ge [sflag:s31], $0x3800  }
.Ltmp0:
0x55: {  	[sflag:s31] =	ssyncset.done $0x0;
	(pc) =	sbr.rel @p0 .LBB2_2-.Ltmp0, $4  }
0x56: {  	s16 =	sadd.s32 $0x2780, s17;
	[sflag:s31] =	ssyncadd.s32 $0xFFFFC800  }
0x57: {  	[spmem:s3] =	stream.indirect.scatter.add.f32 [tilespmem:s30], [sflag:$0x3], $0x80, s16, s29, $0xb8;
	[tilespmem:$0x1FF00] =	vst v63  }
0x58: {  	_ =	swait.ge [sflag:s26], $0x3800  }
0x59: {  	s16 =	smov.u32 s18;
	[sflag:s26] =	ssyncset.done $0x0  }
0x5a: {  	s15 =	sshra.s32 s15, $0x2;
	[sflag:s26] =	ssyncadd.s32 $0xFFFFC800  }
0x5b: {  	[tilespmem:s30], [sflag:$0x1] =	stream.indirect.gather [hbm4b:s1+s29], $0x80, s15, s29, $0xb8;
	[tilespmem:$0x1FF00] =	vst v63  }
0x5c: {  	_ =	swait.ge [sflag:s31], $0x3800  }
0x5d: {  	[sflag:s31] =	ssyncset.done $0x0  }
0x5e: {  	s15 =	sadd.s32 $0x2780, s15;
	[sflag:s31] =	ssyncadd.s32 $0xFFFFC800  }
0x5f: {  	[spmem:s3] =	stream.indirect.scatter.add.f32 [tilespmem:s30], [sflag:$0x3], $0x80, s15, s29, $0xb8;
	[tilespmem:$0x1FF00] =	vst v63  }
0x60: {  	_ =	swait.ge [sflag:s26], $0x3800  }
0x61: {  	[sflag:s26] =	ssyncset.done $0x0  }
0x62: {  	s18 =	simm.s32 $0x26F0;
	[sflag:s26] =	ssyncadd.s32 $0xFFFFC800  }
0x63: {  	[tilespmem:s28], [sflag:$0x2] =	stream.indirect.gather [hbm4b:s1+s2], $0x80, s18, s2, $0xb8;
	[tilespmem:$0x1FF00] =	vst v63  }
0x64: {  	_ =	swait.ge [sflag:s0], $0x1000  }
0x65: {  	[sflag:s0] =	ssyncset.done $0x0  }
0x66: {  	s16 =	simm.s32 $0x4E70;
	[sflag:s0] =	ssyncadd.s32 $0xFFFFF000  }
0x67: {  	[spmem:s3] =	stream.indirect.scatter.add.f32 [tilespmem:s28], [sflag:$0x3], $0x80, s16, s2, $0xb8;
	[tilespmem:$0x1FF00] =	vst v63  }
0x68: {  	_ =	swait.ge [sflag:s26], $0x1000  }
0x69: {  	[sflag:s26] =	ssyncset.done $0x0  }
0x6a: {  	[sflag:s26] =	ssyncadd.s32 $0xFFFFF000  }
0x6b: {  	[bflag:$0x0] =	sbarrier.arrive $0xFFFF  }
0x6c: {  	s17 =	rddreg [dreg:$0x4]  }
0x6d: {  	[hbm:s17], [sflag:s6] =	dma.local [spmem:s7], $0x500  }
0x6e: {  	_ =	swait.ge [sflag:s26], $0x500  }
0x6f: {  	[sflag:s26] =	ssyncset.done $0x0  }
0x70: {  	s18 =	rddreg [dreg:$0x5];
	[sflag:s26] =	ssyncadd.s32 $0xFFFFFB00  }
0x71: {  	[hbm:s18], [sflag:s6] =	dma.local [spmem:s8], $0x500  }
0x72: {  	_ =	swait.ge [sflag:s26], $0x500  }
0x73: {  	[sflag:s26] =	ssyncset.done $0x0  }
0x74: {  	s8 =	rddreg [dreg:$0x6];
	[sflag:s26] =	ssyncadd.s32 $0xFFFFFB00  }
0x75: {  	[hbm:s8], [sflag:s6] =	dma.local [spmem:s9], $0x500  }
0x76: {  	_ =	swait.ge [sflag:s26], $0x500  }
0x77: {  	[sflag:s26] =	ssyncset.done $0x0  }
0x78: {  	s9 =	rddreg [dreg:$0x7];
	[sflag:s26] =	ssyncadd.s32 $0xFFFFFB00  }
0x79: {  	[hbm:s9], [sflag:s6] =	dma.local [spmem:s10], $0x500  }
0x7a: {  	_ =	swait.ge [sflag:s26], $0x500  }
0x7b: {  	[sflag:s26] =	ssyncset.done $0x0  }
0x7c: {  	s10 =	rddreg [dreg:$0x8];
	[sflag:s26] =	ssyncadd.s32 $0xFFFFFB00  }
0x7d: {  	[hbm:s10], [sflag:s6] =	dma.local [spmem:s11], $0x500  }
0x7e: {  	_ =	swait.ge [sflag:s26], $0x500  }
0x7f: {  	[sflag:s26] =	ssyncset.done $0x0  }
0x80: {  	s15 =	rddreg [dreg:$0x9];
	[sflag:s26] =	ssyncadd.s32 $0xFFFFFB00  }
0x81: {  	[hbm:s15], [sflag:s6] =	dma.local [spmem:s12], $0x500  }
0x82: {  	_ =	swait.ge [sflag:s26], $0x500  }
0x83: {  	[sflag:s26] =	ssyncset.done $0x0  }
0x84: {  	s16 =	rddreg [dreg:$0xa];
	[sflag:s26] =	ssyncadd.s32 $0xFFFFFB00  }
0x85: {  	[hbm:s16], [sflag:s6] =	dma.local [spmem:s13], $0x500  }
0x86: {  	_ =	swait.ge [sflag:s26], $0x500  }
0x87: {  	[sflag:s26] =	ssyncset.done $0x0  }
0x88: {  	s17 =	rddreg [dreg:$0xb];
	[sflag:s26] =	ssyncadd.s32 $0xFFFFFB00  }
0x89: {  	[hbm:s17], [sflag:s6] =	dma.local [spmem:s14], $0x500  }
0x8a: {  	_ =	swait.ge [sflag:s26], $0x500  }
0x8b: {  	s4 =	sadd.s32 $0x1, s4;
	s18 =	rddreg [dreg:$0xe]  }
0x8c: {  	p0 =	sne.s32 s4, s18  }
.Ltmp1:
0x8d: {  	_ = 	snop;
	(pc) =	sbr.rel @p0 .LBB2_1-.Ltmp1, $3  }
0x8e: {  	_ =	sdelay $0x1  }
0x8f: {  	[sflag:s26] =	ssyncset.done $0x0  }
0x90: {  	[sflag:s26] =	ssyncadd.s32 $0xFFFFFB00  }
0x91: {  	_ =	sfence.sel $0x180000  }
0x92: {  	[bflag:$0x0] =	sbarrier.arrive $0xFFFF  }
0x93: {  	_ =	strace $0x9000004D  }
0x94: {  	s0 =	stileid.u32;
	[bflag:$0x2] =	sbarrier.arrive $0xFFFF  }
0x95: {  	p0 =	sne.s32 s0, $0x0;
	s0 =	rddreg [dreg:$0x3]  }
0x96: {  	s0 =	sadd.s32 @!p0 $0x100000, s0  }
0x97: {  	[sflag:s0] =	ssyncadd.tile.s32 @!p0 $0x1;
	_ =	shalt  }
.Lfunc_end2:
_tile_overlayer_lowered:
.L_overlay_start_2:
0x98: {  	(tag) =	ssettag $0x2  }
0x99: {  	s0 =	rddreg [dreg:$0x0];
	s2 =	stileid.u32  }
0x9a: {  	s1 =	rddreg [dreg:$0x1];
	p0 =	sne.s32 s2, $0x0  }
0x9b: {  	s3 =	rddreg [dreg:$0x2];
	[bflag:$0x3] =	sbarrier.arrive $0xFFFF;
	s2 =	simm.s32 @!p0 $0x1C03  }
0x9c: {  	[timem:s3], [sflag:s2] =	dma.local @!p0 [hbm:s0], s1  }
0x9d: {  	s0 =	simm.s32 @!p0 $0x3  }
0x9e: {  	_ =	swait.ge @!p0 [sflag:s0], s1  }
0x9f: {  	s1 =	ssub.s32 @!p0 $0x0, s1;
	[sflag:s0] =	ssyncset.done @!p0 $0x0  }
0xa0: {  	[sflag:s0] =	ssyncadd.s32 @!p0 s1  }
0xa1: {  	[bflag:$0x3] =	sbarrier.arrive $0xFFFF  }
0xa2: {  	_ =	shalt  }

// kernel: kernel.19.cloned.1.call-start
scs
__scs_entry_jumppad:
0x0: {  	(pc) =	sbr.rel $0x88, $3  }
0x1: {  	(tag) =	ssettag $0x0;
	lr =	simm.s32 $0x1  }
0x2: {  	[smem:$0x3F99] =	sst lr;
	_ =	strace $0xD0000000  }
0x3: {  	_ = 	snop  }
0x4: {  	_ = 	snop  }
0x5: {  	_ = 	snop  }
0x6: {  	_ = 	snop  }
0x7: {  	_ = 	snop  }
__scs_overlays_trampoline_lowered:
0x8: {  	[smem:$0x3FA8] =	sst s0  }
0x9: {  	[smem:$0x3FA9] =	sst s1  }
0xa: {  	[smem:$0x3FAA] =	sst s2  }
0xb: {  	[smem:$0x3FAB] =	sst s3  }
0xc: {  	[smem:$0x3FAC] =	sst s4  }
0xd: {  	[smem:$0x3FAD] =	sst s5  }
0xe: {  	[smem:$0x3FAE] =	sst s6  }
0xf: {  	[smem:$0x3FAF] =	sst s7  }
0x10: {  	[smem:$0x3FB0] =	sst s8  }
0x11: {  	[smem:$0x3FB1] =	sst s9;
	s0 =	simm.s32 @!p0 $0x0  }
0x12: {  	s1 =	sld [smem:$0x3F97];
	s0 =	simm.s32 @p0 $0x1  }
0x13: {  	[smem:$0x3FB2] =	sst s0;
	s0 =	simm.s32 @!p1 $0x0  }
0x14: {  	s2 =	sld [smem:$0x3F96];
	s0 =	simm.s32 @p1 $0x1  }
0x15: {  	[smem:$0x3FB3] =	sst s0;
	s0 =	simm.s32 @!p2 $0x0  }
0x16: {  	s3 =	sld [smem:$0x3FDB];
	s0 =	simm.s32 @p2 $0x1  }
0x17: {  	s4 =	simm.s32 $0x1BF5;
	[smem:$0x3FB5] =	sst s0  }
0x18: {  	s0 =	sld [smem:$0x3F98];
	_ =	swait.ge [sflag:s4], $0x0  }
0x19: {  	s7 =	sld [smem:$0x3F99]  }
0x1a: {  	s8 =	sadd.s32 $0xFFFFE003, lr  }
0x1b: {  	s9 =	sadd.s32 $0xFFFFFEF7, lr;
	s5 =	simm.s32 $0xFFFFFFFF;
	p2 =	slt.u32 s8, $0xFFFFF086  }
0x1c: {  	p1 =	slt.u32 s9, $0xF7A;
	s5 =	simm.s32 @!p2 $0x0  }
0x1d: {  	s5 =	simm.s32 @p1 $0x1;
	p0 =	seq.s32 s7, s2  }
0x1e: {  	s7 =	smul.u32 @!p0 $0xF7A, s2;
	p2 =	seq.s32 @!p0 s5, $0x0  }
0x1f: {  	s9 =	smul.u32 $0xF7A, s1;
	s8 =	simm.s32 @!p0 $0x1BF5;
	p2 =	por !p2, p0  }
0x20: {  	[sflag:s8] =	ssyncset.s32 @!p0 $0xFFFFF086;
	s6 =	sadd.s32 @!p0 s3, s7;
	s7 =	simm.s32 @!p0 $0x108  }
0x21: {  	s3 =	sadd.s32 s3, s9;
	s6 =	sadd.s32 @!p0 $0x88, s6;
	s7 =	simm.s32 @p2 $0x1082  }
0x22: {  	[simem:s7], [sflag:s8] =	dma.local @!p0 [hbm:s6], $0xF7A  }
0x23: {  	s9 =	sor.u32 $0xD0000000, s2;
	s6 =	simm.s32 $0x108;
	_ =	swait.ge @!p0 [sflag:s8], $0x0  }
0x24: {  	s3 =	sadd.s32 $0x88, s3;
	s6 =	simm.s32 @!p1 $0x1082;
	[sflag:s4] =	ssyncset.s32 $0xFFFFF086  }
0x25: {  	[simem:s6], [sflag:s4] =	dma.local [hbm:s3], $0xF7A  }
0x26: {  	[smem:$0x3F99] =	sst s1;
	(tag) =	ssettag s2;
	_ =	strace s9  }
0x27: {  	s1 =	sld [smem:$0x3FA9]  }
0x28: {  	s2 =	sld [smem:$0x3FAA]  }
0x29: {  	s4 =	sld [smem:$0x3FAC]  }
0x2a: {  	p0 =	seq.s32 s5, $0x0;
	s5 =	sld [smem:$0x3FAD]  }
0x2b: {  	s6 =	sld [smem:$0x3FAE]  }
0x2c: {  	s7 =	sld [smem:$0x3FAF]  }
0x2d: {  	s3 =	simm.s32 $0x108;
	s8 =	sld [smem:$0x3FB0]  }
0x2e: {  	s3 =	simm.s32 @!p0 $0x1082;
	s9 =	sld [smem:$0x3FB1]  }
0x2f: {  	lr =	sadd.s32 s0, s3;
	s0 =	sld [smem:$0x3FA8]  }
0x30: {  	s3 =	sld [smem:$0x3FAB]  }
0x31: {  	[smem:$0x3FB4] =	sst s10  }
0x32: {  	s10 =	sld [smem:$0x3FB2];
	_ =	sdelay $0x3  }
0x33: {  	p0 =	seq.s32 s10, $0x1;
	s10 =	sld [smem:$0x3FB4];
	_ =	sdelay $0x3  }
0x34: {  	[smem:$0x3FB4] =	sst s10  }
0x35: {  	s10 =	sld [smem:$0x3FB3];
	_ =	sdelay $0x3  }
0x36: {  	p1 =	seq.s32 s10, $0x1;
	s10 =	sld [smem:$0x3FB4];
	_ =	sdelay $0x3  }
0x37: {  	[smem:$0x3FB4] =	sst s10  }
0x38: {  	s10 =	sld [smem:$0x3FB5]  }
0x39: {  	_ = 	snop;
	(pc) =	sbr.ind lr, $3  }
0x3a: {  	_ = 	snop  }
0x3b: {  	_ = 	snop  }
0x3c: {  	p2 =	seq.s32 s10, $0x1;
	s10 =	sld [smem:$0x3FB4]  }
0x3d: {  	_ =	shalt  }
0x3e: {  	_ =	shalt  }
0x3f: {  	_ =	shalt  }
0x40: {  	_ =	shalt  }
0x41: {  	_ =	shalt  }
0x42: {  	_ =	shalt  }
0x43: {  	_ =	shalt  }
0x44: {  	_ =	shalt  }
0x45: {  	_ =	shalt  }
0x46: {  	_ =	shalt  }
0x47: {  	_ =	shalt  }
0x48: {  	_ =	shalt  }
0x49: {  	_ =	shalt  }
0x4a: {  	_ =	shalt  }
0x4b: {  	_ =	shalt  }
0x4c: {  	_ =	shalt  }
0x4d: {  	_ =	shalt  }
0x4e: {  	_ =	shalt  }
0x4f: {  	_ =	shalt  }
0x50: {  	_ =	shalt  }
0x51: {  	_ =	shalt  }
0x52: {  	_ =	shalt  }
0x53: {  	_ =	shalt  }
0x54: {  	_ =	shalt  }
0x55: {  	_ =	shalt  }
0x56: {  	_ =	shalt  }
0x57: {  	_ =	shalt  }
0x58: {  	_ =	shalt  }
0x59: {  	_ =	shalt  }
0x5a: {  	_ =	shalt  }
0x5b: {  	_ =	shalt  }
0x5c: {  	_ =	shalt  }
0x5d: {  	_ =	shalt  }
0x5e: {  	_ =	shalt  }
0x5f: {  	_ =	shalt  }
0x60: {  	_ =	shalt  }
0x61: {  	_ =	shalt  }
0x62: {  	_ =	shalt  }
0x63: {  	_ =	shalt  }
0x64: {  	_ =	shalt  }
0x65: {  	_ =	shalt  }
0x66: {  	_ =	shalt  }
0x67: {  	_ =	shalt  }
0x68: {  	_ =	shalt  }
0x69: {  	_ =	shalt  }
0x6a: {  	_ =	shalt  }
0x6b: {  	_ =	shalt  }
0x6c: {  	_ =	shalt  }
0x6d: {  	_ =	shalt  }
0x6e: {  	_ =	shalt  }
0x6f: {  	_ =	shalt  }
0x70: {  	_ =	shalt  }
0x71: {  	_ =	shalt  }
0x72: {  	_ =	shalt  }
0x73: {  	_ =	shalt  }
0x74: {  	_ =	shalt  }
0x75: {  	_ =	shalt  }
0x76: {  	_ =	shalt  }
0x77: {  	_ =	shalt  }
0x78: {  	_ =	shalt  }
0x79: {  	_ =	shalt  }
0x7a: {  	_ =	shalt  }
0x7b: {  	_ =	shalt  }
0x7c: {  	_ =	shalt  }
0x7d: {  	_ =	shalt  }
0x7e: {  	_ =	shalt  }
0x7f: {  	_ =	shalt  }
0x80: {  	_ =	shalt  }
0x81: {  	_ =	shalt  }
0x82: {  	_ =	shalt  }
0x83: {  	_ =	shalt  }
0x84: {  	_ =	shalt  }
0x85: {  	_ =	shalt  }
0x86: {  	_ =	shalt  }
0x87: {  	_ =	shalt  }
.Lfunc_end0:
.L_simem_size_0:
called_computation.3_lowered:
.L_overlay_start_0:
0x88: {  	s2 =	sld [smem:$0x3FD9]  }
0x89: {  	s3 =	sld [smem:$0x3FFE];
	_ =	sdelay $0x1  }
0x8a: {  	s1 =	srdreg.scid  }
0x8b: {  	s0 =	sand.u32 $0x1, s1  }
0x8c: {  	s17 =	sshll.u32 s0, $0xA;
	s2 =	sadd.s32 s3, s2  }
0x8d: {  	s2 =	sadd.s32 s2, s17  }
0x8e: {  	[smem:$0x3FC0] =	sst s2  }
0x8f: {  	_ = 	snop  }
0x90: {  	s2 =	sld [smem:$0x3FD0];
	(tm) =	ssettm $0x1  }
0x91: {  	s18 =	sld [smem:$0x3FFB];
	_ =	sdelay $0x3  }
0x92: {  	_ =	strace s18  }
0x93: {  	s3 =	sld [smem:$0x3FFC];
	_ =	sdelay $0x3  }
0x94: {  	_ =	strace s3  }
0x95: {  	s3 =	sld [smem:$0x3FFD];
	_ =	sdelay $0x3  }
0x96: {  	_ =	strace s3  }
0x97: {  	_ =	strace $0x8FFFFFFF  }
0x98: {  	s19 =	sld [smem:$0x3FDB];
	_ =	sdelay $0x1  }
0x99: {  	s4 =	simm.s32 $_scs_section_size  }
0x9a: {  	s5 =	simm.s32 $_size__tile_overlayer_lowered;
	s6 =	simm.s32 $_tile_overlayer_lowered  }
0x9b: {  	s22 =	simm.s32 $0x1BFF;
	s21 =	sshll.u32 s6, $0x1;
	s3 =	sadd.s32 s4, s19  }
0x9c: {  	s7 =	simm.s32 $0x0;
	s20 =	sshll.u32 s5, $0x1;
	s5 =	sadd.s32 s21, s3  }
0x9d: {  	[timem:s7], [sflag:s22] =	dma.local [hbm:s5], s20  }
0x9e: {  	_ =	swait.ge [sflag:s22], s20  }
0x9f: {  	s4 =	ssub.s32 $0x0, s20;
	[sflag:s22] =	ssyncset.done $0x0  }
0xa0: {  	[sflag:s22] =	ssyncadd.s32 s4;
	_ =	sdelay $0x1  }
0xa1: {  	s23 =	simm.s32 $0x1B8B  }
0xa2: {  	_ =	swait.ge [sflag:s23], $0x1  }
0xa3: {  	[sflag:s23] =	ssyncset.done $0x0  }
0xa4: {  	s25 =	simm.s32 $0x1B8E;
	s24 =	sld [smem:$0x3FFE];
	[sflag:s23] =	ssyncadd.s32 $0xFFFFFFFF  }
0xa5: {  	s26 =	simm.s32 $execute0_lowered;
	[smem:$0x3FD2] =	sst s25  }
0xa6: {  	s5 =	sshll.u32 s26, $0x1;
	_ =	strace $0x8000004F;
	[dreg:$0x1] =	wrdreg $0xFFFFFFFF  }
0xa7: {  	s28 =	simm.s32 $_size_execute0_lowered;
	s3 =	sadd.s32 s3, s5;
	[dreg:$0x0] =	wrdreg $0x0  }
0xa8: {  	s5 =	sshll.u32 s28, $0x1;
	[dreg:$0x2] =	wrdreg s3  }
0xa9: {  	[dreg:$0x3] =	wrdreg s5  }
0xaa: {  	[dreg:$0x4] =	wrdreg $0xC0  }
0xab: {  	_ =	task [dreg:s7], $0x5FFFF  }
0xac: {  	[dreg:$0x1] =	wrdreg $0xFFFFFFFF  }
0xad: {  	[dreg:$0x0] =	wrdreg $0x60  }
0xae: {  	[dreg:$0x2] =	wrdreg s2  }
0xaf: {  	[dreg:$0x3] =	wrdreg s24  }
0xb0: {  	[dreg:$0x4] =	wrdreg $0xBF000  }
0xb1: {  	[dreg:$0x5] =	wrdreg $0x9  }
0xb2: {  	_ =	task.clear_ibuf [dreg:s7], $0x6FFFF;
	_ =	strace $0x9000004F  }
0xb3: {  	s29 =	simm.s32 $0x9;
	_ =	strace $0x80000051  }
0xb4: {  	_ =	swait.ge [sflag:s29], $0x1  }
0xb5: {  	[sflag:s29] =	ssyncadd.s32 $0xFFFFFFFF  }
0xb6: {  	_ =	strace $0x90000051  }
0xb7: {  	_ =	sfence  }
0xb8: {  	s30 =	sld [smem:$0x0];
	_ =	sdelay $0x2  }
0xb9: {  	s31 =	sshll.u32 s1, $0xD;
	s1 =	sshrl.u32 s1, $0x2  }
0xba: {  	s3 =	sand.u32 $0x4000, s31;
	s1 =	sadd.s32 s1, s30  }
0xbb: {  	s0 =	sor.u32 s3, s0;
	s1 =	sshll.u32 s1, $0x11  }
0xbc: {  	s0 =	sor.u32 s1, s0  }
0xbd: {  	s0 =	sadd.s32 $0x8F2B, s0  }
0xbe: {  	[sflag:s0] =	ssyncadd.remote.s32 $0x1  }
0xbf: {  	_ =	sfence.sel $0xFFFF  }
0xc0: {  	[dreg:$0x0] =	wrdreg $0xFFFFFFFF;
	(pc) =	sbr.abs _section_cstart, $3  }
0xc1: {  	[dreg:$0x1] =	wrdreg $0xFFFFFFFF  }
0xc2: {  	_ =	task.clear_ibuf [dreg:s7], $0x2FFFF;
	_ =	strace $0x9FFFFFFF  }
0xc3: {  	(tm) =	ssettm $0x7FFFFFFF  }
tec
execute0_lowered:
.L_overlay_start_1:
0x0: {  	(tag) =	ssettag $0x1  }
0x1: {  	s1 =	rddreg [dreg:$0x0]  }
0x2: {  	s0 =	srdreg.scid;
	s2 =	rddreg [dreg:$0x1]  }
0x3: {  	s10 =	stileid.u32;
	s3 =	rddreg [dreg:$0x2]  }
0x4: {  	s5 =	simm.s32 $0x0;
	s29 =	simm.s32 $0x70;
	s30 =	simm.s32 $0x4F00  }
0x5: {  	s31 =	simm.s32 $0x1;
	s28 =	simm.s32 $0x8700;
	s0 =	sand.u32 $0x1, s0  }
0x6: {  	[smem:$0x7FF] =	sst s5;
	s8 =	smul.u32 $0x14000, s10;
	s5 =	sadd.s32 $0xC800, s2  }
0x7: {  	s25 =	sshll.u32 s10, $0x6;
	s26 =	smul.u32 $0x50000, s10;
	s4 =	sshll.u32 s0, $0x4  }
0x8: {  	s7 =	smul.u32 $0x140000, s0;
	_ =	strace $0x80000050;
	s0 =	ssub.s32 $0x2, s0  }
0x9: {  	s4 =	sor.u32 s10, s4;
	s6 =	sshrl.u32 s0, $0x1;
	s10 =	sor.u32 $0x2800, s8  }
0xa: {  	s11 =	sadd.s32 $0x5000, s8;
	s12 =	sadd.s32 $0x7800, s8;
	s13 =	sadd.s32 $0xA000, s8  }
0xb: {  	s14 =	sadd.s32 $0xC800, s8;
	s16 =	sadd.s32 $0xF000, s8;
	s4 =	smul.u32 $0x4F0, s4  }
0xc: {  	s9 =	sadd.s32 s7, s8;
	s0 =	ssub.s32 s0, s6;
	s6 =	sor.u32 $0x1C03, s25  }
0xd: {  	s15 =	sadd.s32 s7, s10;
	s8 =	sadd.s32 $0x11800, s8;
	s18 =	sadd.s32 s7, s11  }
0xe: {  	s17 =	sadd.s32 s7, s12;
	s21 =	sadd.s32 s7, s14;
	s22 =	sadd.s32 s7, s16  }
0xf: {  	s25 =	sshrl.u32 s26, $0x2;
	s9 =	sshrl.u32 s9, $0x3;
	s15 =	sshrl.u32 s15, $0x3  }
0x10: {  	s17 =	sshrl.u32 s17, $0x3;
	s0 =	smax.u32 s0, $0x1;
	s26 =	sadd.s32 s25, s3  }
0x11: {  	s25 =	sadd.s32 s8, s3;
	s4 =	sadd.s32 s4, s2;
	[dreg:$0xe] =	wrdreg s0  }
0x12: {  	s2 =	sadd.s32 $0xCE00, s2;
	[dreg:$0xf] =	wrdreg s26;
	s26 =	simm.s32 $0x3  }
0x13: {  	s0 =	simm.s32 $0x2;
	s9 =	sadd.s32 s2, s9;
	s15 =	sadd.s32 s2, s15  }
0x14: {  	s19 =	sadd.s32 s2, s17;
	s17 =	sshrl.u32 s22, $0x3;
	[dreg:$0x4] =	wrdreg s9  }
0x15: {  	s24 =	sadd.s32 $0x5CE00, s4;
	s4 =	sadd.s32 $0x2A00, s4;
	[dreg:$0x5] =	wrdreg s15  }
0x16: {  	s22 =	sadd.s32 s13, s3;
	s15 =	sshrl.u32 s18, $0x3;
	[dreg:$0x7] =	wrdreg s19  }
0x17: {  	s18 =	sadd.s32 s7, s13;
	s7 =	sadd.s32 s7, s8;
	[dreg:$0xc] =	wrdreg s24  }
0x18: {  	s23 =	sadd.s32 s2, s17;
	[dreg:$0xd] =	wrdreg s4;
	s19 =	sadd.s32 s10, s3  }
0x19: {  	s15 =	sadd.s32 s2, s15;
	s20 =	sshrl.u32 s18, $0x3;
	[dreg:$0xa] =	wrdreg s23  }
0x1a: {  	s24 =	sadd.s32 s16, s3;
	[dreg:$0x6] =	wrdreg s15;
	s15 =	sadd.s32 s2, s20  }
0x1b: {  	s4 =	simm.s32 $0x0;
	[dreg:$0x8] =	wrdreg s15;
	s15 =	sshrl.u32 s21, $0x3  }
0x1c: {  	s7 =	sshrl.u32 s7, $0x3;
	s23 =	sadd.s32 s14, s3;
	s15 =	sadd.s32 s2, s15  }
0x1d: {  	s20 =	sadd.s32 s11, s3;
	s2 =	sadd.s32 s2, s7;
	[dreg:$0x9] =	wrdreg s15  }
0x1e: {  	s21 =	sadd.s32 s12, s3;
	[dreg:$0xb] =	wrdreg s2;
	s2 =	simm.s32 $0x20  }
.LBB2_1:
0x1f: {  	s7 =	rddreg [dreg:$0xf]  }
0x20: {  	s7 =	sshrl.u32 s7, $0x3  }
0x21: {  	[spmem:s7], [sflag:s6] =	dma.local [hbm:s5], $0x500  }
0x22: {  	_ =	swait.ge [sflag:s26], $0x500  }
0x23: {  	[sflag:s26] =	ssyncset.done $0x0  }
0x24: {  	s8 =	sshrl.u32 s19, $0x3;
	[sflag:s26] =	ssyncadd.s32 $0xFFFFFB00  }
0x25: {  	[spmem:s8], [sflag:s6] =	dma.local [hbm:s5], $0x500  }
0x26: {  	_ =	swait.ge [sflag:s26], $0x500  }
0x27: {  	[sflag:s26] =	ssyncset.done $0x0  }
0x28: {  	s9 =	sshrl.u32 s20, $0x3;
	[sflag:s26] =	ssyncadd.s32 $0xFFFFFB00  }
0x29: {  	[spmem:s9], [sflag:s6] =	dma.local [hbm:s5], $0x500  }
0x2a: {  	_ =	swait.ge [sflag:s26], $0x500  }
0x2b: {  	[sflag:s26] =	ssyncset.done $0x0  }
0x2c: {  	s10 =	sshrl.u32 s21, $0x3;
	[sflag:s26] =	ssyncadd.s32 $0xFFFFFB00  }
0x2d: {  	[spmem:s10], [sflag:s6] =	dma.local [hbm:s5], $0x500  }
0x2e: {  	_ =	swait.ge [sflag:s26], $0x500  }
0x2f: {  	[sflag:s26] =	ssyncset.done $0x0  }
0x30: {  	s11 =	sshrl.u32 s22, $0x3;
	[sflag:s26] =	ssyncadd.s32 $0xFFFFFB00  }
0x31: {  	[spmem:s11], [sflag:s6] =	dma.local [hbm:s5], $0x500  }
0x32: {  	_ =	swait.ge [sflag:s26], $0x500  }
0x33: {  	[sflag:s26] =	ssyncset.done $0x0  }
0x34: {  	s12 =	sshrl.u32 s23, $0x3;
	[sflag:s26] =	ssyncadd.s32 $0xFFFFFB00  }
0x35: {  	[spmem:s12], [sflag:s6] =	dma.local [hbm:s5], $0x500  }
0x36: {  	_ =	swait.ge [sflag:s26], $0x500  }
0x37: {  	[sflag:s26] =	ssyncset.done $0x0  }
0x38: {  	s13 =	sshrl.u32 s24, $0x3;
	[sflag:s26] =	ssyncadd.s32 $0xFFFFFB00  }
0x39: {  	[spmem:s13], [sflag:s6] =	dma.local [hbm:s5], $0x500  }
0x3a: {  	_ =	swait.ge [sflag:s26], $0x500  }
0x3b: {  	[sflag:s26] =	ssyncset.done $0x0  }
0x3c: {  	s14 =	sshrl.u32 s25, $0x3;
	[sflag:s26] =	ssyncadd.s32 $0xFFFFFB00  }
0x3d: {  	[spmem:s14], [sflag:s6] =	dma.local [hbm:s5], $0x500  }
0x3e: {  	_ =	swait.ge [sflag:s26], $0x500  }
0x3f: {  	[sflag:s26] =	ssyncset.done $0x0  }
0x40: {  	s15 =	simm.s32 $0x0;
	s16 =	rddreg [dreg:$0xc];
	[sflag:s26] =	ssyncadd.s32 $0xFFFFFB00  }
0x41: {  	[tilespmem:s15], [sflag:$0x3] =	stream.linear.gather [hbm4b:s16+s15], $0x2780, $0x38;
	[tilespmem:$0x1FF00] =	vst v63  }
0x42: {  	_ =	swait.ge [sflag:s26], $0x2780  }
0x43: {  	[sflag:s26] =	ssyncset.done $0x0  }
0x44: {  	s17 =	simm.s32 $0x2780;
	s18 =	rddreg [dreg:$0xd];
	[sflag:s26] =	ssyncadd.s32 $0xFFFFD880  }
0x45: {  	[tilespmem:s17], [sflag:$0x3] =	stream.linear.gather [hbm4b:s18+s15], $0x2780, $0x38;
	[tilespmem:$0x1FF00] =	vst v63  }
0x46: {  	_ =	swait.ge [sflag:s26], $0x2780  }
0x47: {  	[sflag:s26] =	ssyncset.done $0x0  }
0x48: {  	[sflag:s26] =	ssyncadd.s32 $0xFFFFD880  }
0x49: {  	s17 =	simm.s32 $0x0;
	[bflag:$0x0] =	sbarrier.arrive $0xFFFF  }
0x4a: {  	[tilespmem:s30], [sflag:$0x1] =	stream.indirect.gather [hbm4b:s1+s29], $0x80, s17, s29, $0xb8;
	[tilespmem:$0x1FF00] =	vst v63  }
0x4b: {  	_ =	swait.ge [sflag:s31], $0x3800  }
0x4c: {  	[sflag:s31] =	ssyncset.done $0x0  }
0x4d: {  	s18 =	simm.s32 $0x2780;
	[sflag:s31] =	ssyncadd.s32 $0xFFFFC800  }
0x4e: {  	[spmem:s3] =	stream.indirect.scatter.add.f32 [tilespmem:s30], [sflag:$0x3], $0x80, s18, s29, $0xb8;
	[tilespmem:$0x1FF00] =	vst v63  }
0x4f: {  	_ =	swait.ge [sflag:s26], $0x3800  }
0x50: {  	s16 =	simm.s32 $0x380;
	s15 =	simm.s32 $0x1C0;
	[sflag:s26] =	ssyncset.done $0x0  }
.LBB2_2:
0x51: {  	s17 =	sshra.s32 s15, $0x2  }
0x52: {  	[sflag:s26] =	ssyncadd.s32 $0xFFFFC800;
	s15 =	smov.u32 s16;
	s18 =	sadd.s32 $0x1C0, s16  }
0x53: {  	[tilespmem:s30], [sflag:$0x1] =	stream.indirect.gather [hbm4b:s1+s29], $0x80, s17, s29, $0xb8;
	[tilespmem:$0x1FF00] =	vst v63  }
0x54: {  	p0 =	sne.s32 s16, $0x9A00;
	_ =	swait.ge [sflag:s31], $0x3800  }
.Ltmp0:
0x55: {  	[sflag:s31] =	ssyncset.done $0x0;
	(pc) =	sbr.rel @p0 .LBB2_2-.Ltmp0, $4  }
0x56: {  	s16 =	sadd.s32 $0x2780, s17;
	[sflag:s31] =	ssyncadd.s32 $0xFFFFC800  }
0x57: {  	[spmem:s3] =	stream.indirect.scatter.add.f32 [tilespmem:s30], [sflag:$0x3], $0x80, s16, s29, $0xb8;
	[tilespmem:$0x1FF00] =	vst v63  }
0x58: {  	_ =	swait.ge [sflag:s26], $0x3800  }
0x59: {  	s16 =	smov.u32 s18;
	[sflag:s26] =	ssyncset.done $0x0  }
0x5a: {  	s15 =	sshra.s32 s15, $0x2;
	[sflag:s26] =	ssyncadd.s32 $0xFFFFC800  }
0x5b: {  	[tilespmem:s30], [sflag:$0x1] =	stream.indirect.gather [hbm4b:s1+s29], $0x80, s15, s29, $0xb8;
	[tilespmem:$0x1FF00] =	vst v63  }
0x5c: {  	_ =	swait.ge [sflag:s31], $0x3800  }
0x5d: {  	[sflag:s31] =	ssyncset.done $0x0  }
0x5e: {  	s15 =	sadd.s32 $0x2780, s15;
	[sflag:s31] =	ssyncadd.s32 $0xFFFFC800  }
0x5f: {  	[spmem:s3] =	stream.indirect.scatter.add.f32 [tilespmem:s30], [sflag:$0x3], $0x80, s15, s29, $0xb8;
	[tilespmem:$0x1FF00] =	vst v63  }
0x60: {  	_ =	swait.ge [sflag:s26], $0x3800  }
0x61: {  	[sflag:s26] =	ssyncset.done $0x0  }
0x62: {  	s18 =	simm.s32 $0x26F0;
	[sflag:s26] =	ssyncadd.s32 $0xFFFFC800  }
0x63: {  	[tilespmem:s28], [sflag:$0x2] =	stream.indirect.gather [hbm4b:s1+s2], $0x80, s18, s2, $0xb8;
	[tilespmem:$0x1FF00] =	vst v63  }
0x64: {  	_ =	swait.ge [sflag:s0], $0x1000  }
0x65: {  	[sflag:s0] =	ssyncset.done $0x0  }
0x66: {  	s16 =	simm.s32 $0x4E70;
	[sflag:s0] =	ssyncadd.s32 $0xFFFFF000  }
0x67: {  	[spmem:s3] =	stream.indirect.scatter.add.f32 [tilespmem:s28], [sflag:$0x3], $0x80, s16, s2, $0xb8;
	[tilespmem:$0x1FF00] =	vst v63  }
0x68: {  	_ =	swait.ge [sflag:s26], $0x1000  }
0x69: {  	[sflag:s26] =	ssyncset.done $0x0  }
0x6a: {  	[sflag:s26] =	ssyncadd.s32 $0xFFFFF000  }
0x6b: {  	[bflag:$0x0] =	sbarrier.arrive $0xFFFF  }
0x6c: {  	s17 =	rddreg [dreg:$0x4]  }
0x6d: {  	[hbm:s17], [sflag:s6] =	dma.local [spmem:s7], $0x500  }
0x6e: {  	_ =	swait.ge [sflag:s26], $0x500  }
0x6f: {  	[sflag:s26] =	ssyncset.done $0x0  }
0x70: {  	s18 =	rddreg [dreg:$0x5];
	[sflag:s26] =	ssyncadd.s32 $0xFFFFFB00  }
0x71: {  	[hbm:s18], [sflag:s6] =	dma.local [spmem:s8], $0x500  }
0x72: {  	_ =	swait.ge [sflag:s26], $0x500  }
0x73: {  	[sflag:s26] =	ssyncset.done $0x0  }
0x74: {  	s8 =	rddreg [dreg:$0x6];
	[sflag:s26] =	ssyncadd.s32 $0xFFFFFB00  }
0x75: {  	[hbm:s8], [sflag:s6] =	dma.local [spmem:s9], $0x500  }
0x76: {  	_ =	swait.ge [sflag:s26], $0x500  }
0x77: {  	[sflag:s26] =	ssyncset.done $0x0  }
0x78: {  	s9 =	rddreg [dreg:$0x7];
	[sflag:s26] =	ssyncadd.s32 $0xFFFFFB00  }
0x79: {  	[hbm:s9], [sflag:s6] =	dma.local [spmem:s10], $0x500  }
0x7a: {  	_ =	swait.ge [sflag:s26], $0x500  }
0x7b: {  	[sflag:s26] =	ssyncset.done $0x0  }
0x7c: {  	s10 =	rddreg [dreg:$0x8];
	[sflag:s26] =	ssyncadd.s32 $0xFFFFFB00  }
0x7d: {  	[hbm:s10], [sflag:s6] =	dma.local [spmem:s11], $0x500  }
0x7e: {  	_ =	swait.ge [sflag:s26], $0x500  }
0x7f: {  	[sflag:s26] =	ssyncset.done $0x0  }
0x80: {  	s15 =	rddreg [dreg:$0x9];
	[sflag:s26] =	ssyncadd.s32 $0xFFFFFB00  }
0x81: {  	[hbm:s15], [sflag:s6] =	dma.local [spmem:s12], $0x500  }
0x82: {  	_ =	swait.ge [sflag:s26], $0x500  }
0x83: {  	[sflag:s26] =	ssyncset.done $0x0  }
0x84: {  	s16 =	rddreg [dreg:$0xa];
	[sflag:s26] =	ssyncadd.s32 $0xFFFFFB00  }
0x85: {  	[hbm:s16], [sflag:s6] =	dma.local [spmem:s13], $0x500  }
0x86: {  	_ =	swait.ge [sflag:s26], $0x500  }
0x87: {  	[sflag:s26] =	ssyncset.done $0x0  }
0x88: {  	s17 =	rddreg [dreg:$0xb];
	[sflag:s26] =	ssyncadd.s32 $0xFFFFFB00  }
0x89: {  	[hbm:s17], [sflag:s6] =	dma.local [spmem:s14], $0x500  }
0x8a: {  	_ =	swait.ge [sflag:s26], $0x500  }
0x8b: {  	s4 =	sadd.s32 $0x1, s4;
	s18 =	rddreg [dreg:$0xe]  }
0x8c: {  	p0 =	sne.s32 s4, s18  }
.Ltmp1:
0x8d: {  	_ = 	snop;
	(pc) =	sbr.rel @p0 .LBB2_1-.Ltmp1, $3  }
0x8e: {  	_ =	sdelay $0x1  }
0x8f: {  	[sflag:s26] =	ssyncset.done $0x0  }
0x90: {  	[sflag:s26] =	ssyncadd.s32 $0xFFFFFB00  }
0x91: {  	_ =	sfence.sel $0x180000  }
0x92: {  	[bflag:$0x0] =	sbarrier.arrive $0xFFFF  }
0x93: {  	_ =	strace $0x90000050  }
0x94: {  	s0 =	stileid.u32;
	[bflag:$0x2] =	sbarrier.arrive $0xFFFF  }
0x95: {  	p0 =	sne.s32 s0, $0x0;
	s0 =	rddreg [dreg:$0x3]  }
0x96: {  	s0 =	sadd.s32 @!p0 $0x100000, s0  }
0x97: {  	[sflag:s0] =	ssyncadd.tile.s32 @!p0 $0x1;
	_ =	shalt  }
.Lfunc_end2:
_tile_overlayer_lowered:
.L_overlay_start_2:
0x98: {  	(tag) =	ssettag $0x2  }
0x99: {  	s0 =	rddreg [dreg:$0x0];
	s2 =	stileid.u32  }
0x9a: {  	s1 =	rddreg [dreg:$0x1];
	p0 =	sne.s32 s2, $0x0  }
0x9b: {  	s3 =	rddreg [dreg:$0x2];
	[bflag:$0x3] =	sbarrier.arrive $0xFFFF;
	s2 =	simm.s32 @!p0 $0x1C03  }
0x9c: {  	[timem:s3], [sflag:s2] =	dma.local @!p0 [hbm:s0], s1  }
0x9d: {  	s0 =	simm.s32 @!p0 $0x3  }
0x9e: {  	_ =	swait.ge @!p0 [sflag:s0], s1  }
0x9f: {  	s1 =	ssub.s32 @!p0 $0x0, s1;
	[sflag:s0] =	ssyncset.done @!p0 $0x0  }
0xa0: {  	[sflag:s0] =	ssyncadd.s32 @!p0 s1  }
0xa1: {  	[bflag:$0x3] =	sbarrier.arrive $0xFFFF  }
0xa2: {  	_ =	shalt  }

</sc_bundles>
